<compile_context>
chip_gen: v7x
topology: tpu7x:2x2x1
jax: 0.10.2.dev20260603
libtpu: 0.0.44.dev20260713+nightly
codegen_flags: <defaults>
</compile_context>

<pallas_src>
import functools

import jax
import jax.numpy as jnp
from jax import lax
from jax.experimental import pallas as pl
from jax.experimental.pallas import tpu as pltpu
from jax.experimental.pallas import tpu_sc as plsc

_N_EMBED = 512
_E_DIM = 64
_BETA = 0.25

_BLK = 2048
_N_SEG = 1


def _tc_body(z_ref, e_ref, e2c_ref, rowsf_ref, idx_ref, loss_ref):
    i = pl.program_id(0)
    z = z_ref[...]
    e = e_ref[...]
    simT = lax.dot_general(e, z, (((1,), (1,)), ((), ())),
                           preferred_element_type=jnp.float32,
                           precision=lax.Precision.DEFAULT)
    colmax = jnp.max(simT, axis=0, keepdims=True)
    mask = simT == colmax
    rowsf = rowsf_ref[...]
    idx_f = jnp.min(jnp.where(mask, rowsf, jnp.float32(_N_EMBED)),
                    axis=0, keepdims=True)
    idx_ref[...] = idx_f.astype(jnp.int32).reshape(1, _BLK // 128, 128)

    e2c = e2c_ref[...]
    e2_sel = jnp.min(jnp.where(mask, e2c, jnp.inf), axis=0)
    part = (jnp.sum(e2_sel) - 2.0 * jnp.sum(colmax) + jnp.sum(z * z))
    loss_ref[0, 0] = jnp.where(i == 0, part, loss_ref[0, 0] + part)


def _tc_segment(z_flat, emb, e2c, rowsf, seg, n_seg):
    n_rows = z_flat.shape[0] // n_seg
    n_blk = n_rows // _BLK
    blk0 = seg * n_blk
    return pl.pallas_call(
        _tc_body,
        grid=(n_blk,),
        in_specs=[
            pl.BlockSpec((_BLK, _E_DIM), lambda i: (blk0 + i, 0)),
            pl.BlockSpec((_N_EMBED, _E_DIM), lambda i: (0, 0)),
            pl.BlockSpec((_N_EMBED, 1), lambda i: (0, 0)),
            pl.BlockSpec((_N_EMBED, 1), lambda i: (0, 0)),
        ],
        out_specs=[
            pl.BlockSpec((1, _BLK // 128, 128), lambda i: (i, 0, 0)),
            pl.BlockSpec(memory_space=pltpu.SMEM, index_map=lambda i: (0, 0)),
        ],
        out_shape=[
            jax.ShapeDtypeStruct((n_blk, _BLK // 128, 128), jnp.int32),
            jax.ShapeDtypeStruct((1, 1), jnp.float32),
        ],
    )(z_flat, emb, e2c, rowsf)


def _make_sc_gather(n_rows):
    info = plsc.get_sparse_core_info()
    nw = info.num_cores * info.num_subcores
    rows_per_w = n_rows // nw
    n_idx_rows = rows_per_w // 128
    chunk = 4
    chunk_rows = chunk * 128
    n_chunks = n_idx_rows // chunk

    mesh = plsc.VectorSubcoreMesh(core_axis_name="c", subcore_axis_name="s")

    @functools.partial(
        pl.kernel, mesh=mesh,
        compiler_params=pltpu.CompilerParams(use_tc_tiling_on_sc=False),
        out_type=jax.ShapeDtypeStruct((n_rows, _E_DIM), jnp.float32),
        scratch_types=[
            pltpu.VMEM((n_idx_rows, 128), jnp.int32),
            pltpu.VMEM((chunk_rows, _E_DIM), jnp.float32),
            pltpu.VMEM((chunk_rows, _E_DIM), jnp.float32),
            pltpu.VMEM((chunk_rows, _E_DIM), jnp.float32),
            pltpu.SemaphoreType.DMA,
            pltpu.SemaphoreType.DMA,
            pltpu.SemaphoreType.DMA,
            pltpu.SemaphoreType.DMA,
            pltpu.SemaphoreType.DMA,
            pltpu.SemaphoreType.DMA,
        ],
    )
    def sc_gather(table_hbm, idx_hbm, out_hbm, idx_v, rows_a, rows_b, rows_c,
                  gsem_a, gsem_b, gsem_c, ssem_a, ssem_b, ssem_c):
        wid = lax.axis_index("s") * info.num_cores + lax.axis_index("c")
        pltpu.sync_copy(idx_hbm.at[pl.ds(wid * n_idx_rows, n_idx_rows)], idx_v)
        nbuf = 3
        bufs = [rows_a, rows_b, rows_c]
        gsems = [gsem_a, gsem_b, gsem_c]
        ssems = [ssem_a, ssem_b, ssem_c]

        def fire_gathers(c):
            b = c % nbuf
            return [
                pltpu.async_copy(
                    table_hbm.at[idx_v.at[c * chunk + j]],
                    bufs[b].at[pl.ds(j * 128, 128)],
                    gsems[b],
                )
                for j in range(chunk)
            ]

        gathers = {}
        scatters = [None, None, None]
        for c in range(min(nbuf, n_chunks)):
            gathers[c] = fire_gathers(c)
        for c in range(n_chunks):
            b = c % nbuf
            for cp in gathers.pop(c):
                cp.wait()
            scatters[b] = pltpu.async_copy(
                bufs[b],
                out_hbm.at[pl.ds(wid * rows_per_w + c * chunk_rows,
                                 chunk_rows)],
                ssems[b],
            )
            nxt = c + nbuf
            if nxt < n_chunks:
                scatters[b].wait()
                scatters[b] = None
                gathers[nxt] = fire_gathers(nxt)
        for sc in scatters:
            if sc is not None:
                sc.wait()

    return sc_gather


_sc_gather_cache = {}


def kernel(z, embedding_weight):
    z_flat = z.reshape(-1, _E_DIM)
    n_rows = z_flat.shape[0]
    seg_rows = n_rows // _N_SEG

    if seg_rows not in _sc_gather_cache:
        _sc_gather_cache[seg_rows] = _make_sc_gather(seg_rows)
    scg = _sc_gather_cache[seg_rows]

    e2c = jnp.sum(embedding_weight * embedding_weight, axis=1)[:, None]
    rowsf = jnp.arange(_N_EMBED, dtype=jnp.float32)[:, None]

    idxs = []
    zqs = []
    loss = None
    for s in range(_N_SEG):
        idx2, loss_s = _tc_segment(z_flat, embedding_weight, e2c, rowsf,
                                   s, _N_SEG)
        idx_flat = idx2.reshape(-1)
        zqs.append(scg(embedding_weight, idx_flat.reshape(-1, 128)))
        idxs.append(idx_flat)
        loss = loss_s if loss is None else loss + loss_s

    z_q = jnp.concatenate(zqs, axis=0).reshape(z.shape)
    idx = jnp.concatenate(idxs)

    mse = loss[0, 0] / jnp.float32(z.size)
    vq_loss = mse
    commitment_loss = _BETA * mse
    return (z_q, vq_loss, commitment_loss, idx)

# --- scband reference (transcript-rebuilt; emitter-appended) ---
"""Pipeline reference for scband-vector-quantizer-48009144435371 (READ-ONLY COPY).

The authoritative reference and input builder live on the scoring server;
editing this copy changes nothing except your own understanding.
"""

import jax, jax.numpy as jnp
import numpy as np

N_EMBED = 512
E_DIM = 64
BETA = 0.25


def setup_inputs(seed: int = 0) -> dict:
    key = jax.random.key(seed)
    k1, k2 = jax.random.split(key)
    z = jax.random.normal(k1, (64, 1024, E_DIM), dtype=jnp.float32)
    # learned parameter: nn.Embedding(n_embed, e_dim) weight
    embedding_weight = jax.random.normal(k2, (N_EMBED, E_DIM), dtype=jnp.float32) * 0.02
    return {"z": z, "embedding_weight": embedding_weight}


def reference(z, embedding_weight):
    # z_flattened = z.view(-1, e_dim)
    z_flat = z.reshape(-1, E_DIM)
    # embeddings = full codebook (arange lookup == whole table)
    embeddings = embedding_weight
    # similarity = z_flat @ embeddings.T ; argmax over codes
    similarity = jnp.matmul(z_flat, embeddings.T)
    codebook_idxs = jnp.argmax(similarity, axis=-1)
    # z_q = embedding(codebook_idxs).view(z.shape)  (gather)
    z_q = jnp.take(embedding_weight, codebook_idxs, axis=0).reshape(z.shape)
    vq_loss = jnp.mean((z_q - jax.lax.stop_gradient(z)) ** 2)
    commitment_loss = BETA * jnp.mean((jax.lax.stop_gradient(z_q) - z) ** 2)
    # straight-through estimator
    z_q_ste = z + jax.lax.stop_gradient(z_q - z)
    return (z_q_ste, vq_loss, commitment_loss, codebook_idxs)

if __name__ == "__main__":
    import jax
    _d = setup_inputs()
    print(jax.jit(kernel)(*tuple(_d.values())))

</pallas_src>

<mosaic_0001>
#map = affine_map<(d0, d1) -> (0, 0)>
module attributes {stable_mosaic.version = 14 : i64} {
  func.func @sc_gather(%arg0: i32, %arg1: i32, %arg2: memref<512x64xf32, #tpu.memory_space<hbm>>, %arg3: memref<512x128xi32, #tpu.memory_space<hbm>>, %arg4: memref<65536x64xf32, #tpu.memory_space<hbm>>, %arg5: memref<16x128xi32, #tpu.memory_space<vmem>>, %arg6: memref<512x64xf32, #tpu.memory_space<vmem>>, %arg7: memref<512x64xf32, #tpu.memory_space<vmem>>, %arg8: memref<512x64xf32, #tpu.memory_space<vmem>>, %arg9: memref<!tpu.dma_semaphore, #tpu.memory_space<semaphore_mem>>, %arg10: memref<!tpu.dma_semaphore, #tpu.memory_space<semaphore_mem>>, %arg11: memref<!tpu.dma_semaphore, #tpu.memory_space<semaphore_mem>>, %arg12: memref<!tpu.dma_semaphore, #tpu.memory_space<semaphore_mem>>, %arg13: memref<!tpu.dma_semaphore, #tpu.memory_space<semaphore_mem>>, %arg14: memref<!tpu.dma_semaphore, #tpu.memory_space<semaphore_mem>>) attributes {dimension_semantics = [#tpu.dimension_semantics<core_parallel>, #tpu.dimension_semantics<subcore_parallel>], iteration_bounds = array<i64: 2, 16>, scalar_prefetch = 0 : i64, scratch_operands = 10 : i64, tpu.core_type = #tpu.core_type<sc_vector_subcore>, window_params = [{transform_indices = #map}, {transform_indices = #map}, {transform_indices = #map}]} {
    %mul3A = arith.constant 2 : i32
    %mul3A_0 = arith.muli %arg1, %mul3A : i32
    %add3A = arith.addi %mul3A_0, %arg0 : i32
    %mul3A_1 = arith.constant 16 : i32
    %mul3A_2 = arith.muli %add3A, %mul3A_1 : i32
    "tpu.region"() ({
      %run_scoped3A = tpu.sem_alloc : memref<!tpu.dma_semaphore, #tpu.memory_space<semaphore_mem>>
      %dma_start3A_369 = arith.constant 0 : i32
      %dma_start3A_370 = tpu.memref_slice %arg3[%mul3A_2, %dma_start3A_369] : memref<512x128xi32, #tpu.memory_space<hbm>> -> memref<16x128xi32, #tpu.memory_space<hbm>>
      %dma_start3A_371 = arith.constant 0 : i32
      %dma_start3A_372 = tpu.memref_slice %arg3[%mul3A_2, %dma_start3A_371] : memref<512x128xi32, #tpu.memory_space<hbm>> -> memref<16x128xi32, #tpu.memory_space<hbm>>
      tpu.enqueue_dma source(%dma_start3A_372 : memref<16x128xi32, #tpu.memory_space<hbm>>) target(%arg5 : memref<16x128xi32, #tpu.memory_space<vmem>>) target_semaphore(%run_scoped3A : memref<!tpu.dma_semaphore, #tpu.memory_space<semaphore_mem>>)
      %dma_wait3A_373 = arith.constant 0 : i32
      %dma_wait3A_374 = tpu.memref_slice %arg3[%mul3A_2, %dma_wait3A_373] : memref<512x128xi32, #tpu.memory_space<hbm>> -> memref<16x128xi32, #tpu.memory_space<hbm>>
      %dma_wait3A_375 = arith.constant 0 : i32
      %dma_wait3A_376 = tpu.memref_slice %arg3[%mul3A_2, %dma_wait3A_375] : memref<512x128xi32, #tpu.memory_space<hbm>> -> memref<16x128xi32, #tpu.memory_space<hbm>>
      tpu.wait_dma2 semaphore(%run_scoped3A : memref<!tpu.dma_semaphore, #tpu.memory_space<semaphore_mem>>) src(%dma_wait3A_376 : memref<16x128xi32, #tpu.memory_space<hbm>>) dst(%arg5 : memref<16x128xi32, #tpu.memory_space<vmem>>)
      tpu.yield
    }) : () -> ()
    %dma_start3A = arith.constant 0 : i32
    %dma_start3A_3 = arith.constant 0 : i32
    %dma_start3A_4 = arith.constant 0 : i32
    %dma_start3A_5 = tpu.memref_slice %arg6[%dma_start3A_3, %dma_start3A_4] : memref<512x64xf32, #tpu.memory_space<vmem>> -> memref<128x64xf32, #tpu.memory_space<vmem>>
    %dma_start3A_6 = arith.constant 0 : i32
    %dma_start3A_7 = tpu.memref_slice %arg5[%dma_start3A, %dma_start3A_6] : memref<16x128xi32, #tpu.memory_space<vmem>> -> memref<1x128xi32, #tpu.memory_space<vmem>>
    %dma_start3A_8 = tpu.memref_squeeze %dma_start3A_7 : memref<1x128xi32, #tpu.memory_space<vmem>> -> memref<128xi32, #tpu.memory_space<vmem>>
    %dma_start3A_9 = arith.constant 0 : i32
    %dma_start3A_10 = arith.constant 0 : i32
    %dma_start3A_11 = tpu.memref_slice %arg2[%dma_start3A_9, %dma_start3A_10] : memref<512x64xf32, #tpu.memory_space<hbm>> -> memref<512x64xf32, #tpu.memory_space<hbm>>
    tpu.enqueue_indirect_dma source(%dma_start3A_11 : memref<512x64xf32, #tpu.memory_space<hbm>>) target(%dma_start3A_5 : memref<128x64xf32, #tpu.memory_space<vmem>>) offsets(%dma_start3A_8 : memref<128xi32, #tpu.memory_space<vmem>>) semaphore(%arg9 : memref<!tpu.dma_semaphore, #tpu.memory_space<semaphore_mem>>)
    %dma_start3A_12 = arith.constant 1 : i32
    %dma_start3A_13 = arith.constant 128 : i32
    %dma_start3A_14 = arith.constant 0 : i32
    %dma_start3A_15 = tpu.memref_slice %arg6[%dma_start3A_13, %dma_start3A_14] : memref<512x64xf32, #tpu.memory_space<vmem>> -> memref<128x64xf32, #tpu.memory_space<vmem>>
    %dma_start3A_16 = arith.constant 0 : i32
    %dma_start3A_17 = tpu.memref_slice %arg5[%dma_start3A_12, %dma_start3A_16] : memref<16x128xi32, #tpu.memory_space<vmem>> -> memref<1x128xi32, #tpu.memory_space<vmem>>
    %dma_start3A_18 = tpu.memref_squeeze %dma_start3A_17 : memref<1x128xi32, #tpu.memory_space<vmem>> -> memref<128xi32, #tpu.memory_space<vmem>>
    %dma_start3A_19 = arith.constant 0 : i32
    %dma_start3A_20 = arith.constant 0 : i32
    %dma_start3A_21 = tpu.memref_slice %arg2[%dma_start3A_19, %dma_start3A_20] : memref<512x64xf32, #tpu.memory_space<hbm>> -> memref<512x64xf32, #tpu.memory_space<hbm>>
    tpu.enqueue_indirect_dma source(%dma_start3A_21 : memref<512x64xf32, #tpu.memory_space<hbm>>) target(%dma_start3A_15 : memref<128x64xf32, #tpu.memory_space<vmem>>) offsets(%dma_start3A_18 : memref<128xi32, #tpu.memory_space<vmem>>) semaphore(%arg9 : memref<!tpu.dma_semaphore, #tpu.memory_space<semaphore_mem>>)
    %dma_start3A_22 = arith.constant 2 : i32
    %dma_start3A_23 = arith.constant 256 : i32
    %dma_start3A_24 = arith.constant 0 : i32
    %dma_start3A_25 = tpu.memref_slice %arg6[%dma_start3A_23, %dma_start3A_24] : memref<512x64xf32, #tpu.memory_space<vmem>> -> memref<128x64xf32, #tpu.memory_space<vmem>>
    %dma_start3A_26 = arith.constant 0 : i32
    %dma_start3A_27 = tpu.memref_slice %arg5[%dma_start3A_22, %dma_start3A_26] : memref<16x128xi32, #tpu.memory_space<vmem>> -> memref<1x128xi32, #tpu.memory_space<vmem>>
    %dma_start3A_28 = tpu.memref_squeeze %dma_start3A_27 : memref<1x128xi32, #tpu.memory_space<vmem>> -> memref<128xi32, #tpu.memory_space<vmem>>
    %dma_start3A_29 = arith.constant 0 : i32
    %dma_start3A_30 = arith.constant 0 : i32
    %dma_start3A_31 = tpu.memref_slice %arg2[%dma_start3A_29, %dma_start3A_30] : memref<512x64xf32, #tpu.memory_space<hbm>> -> memref<512x64xf32, #tpu.memory_space<hbm>>
    tpu.enqueue_indirect_dma source(%dma_start3A_31 : memref<512x64xf32, #tpu.memory_space<hbm>>) target(%dma_start3A_25 : memref<128x64xf32, #tpu.memory_space<vmem>>) offsets(%dma_start3A_28 : memref<128xi32, #tpu.memory_space<vmem>>) semaphore(%arg9 : memref<!tpu.dma_semaphore, #tpu.memory_space<semaphore_mem>>)
    %dma_start3A_32 = arith.constant 3 : i32
    %dma_start3A_33 = arith.constant 384 : i32
    %dma_start3A_34 = arith.constant 0 : i32
    %dma_start3A_35 = tpu.memref_slice %arg6[%dma_start3A_33, %dma_start3A_34] : memref<512x64xf32, #tpu.memory_space<vmem>> -> memref<128x64xf32, #tpu.memory_space<vmem>>
    %dma_start3A_36 = arith.constant 0 : i32
    %dma_start3A_37 = tpu.memref_slice %arg5[%dma_start3A_32, %dma_start3A_36] : memref<16x128xi32, #tpu.memory_space<vmem>> -> memref<1x128xi32, #tpu.memory_space<vmem>>
    %dma_start3A_38 = tpu.memref_squeeze %dma_start3A_37 : memref<1x128xi32, #tpu.memory_space<vmem>> -> memref<128xi32, #tpu.memory_space<vmem>>
    %dma_start3A_39 = arith.constant 0 : i32
    %dma_start3A_40 = arith.constant 0 : i32
    %dma_start3A_41 = tpu.memref_slice %arg2[%dma_start3A_39, %dma_start3A_40] : memref<512x64xf32, #tpu.memory_space<hbm>> -> memref<512x64xf32, #tpu.memory_space<hbm>>
    tpu.enqueue_indirect_dma source(%dma_start3A_41 : memref<512x64xf32, #tpu.memory_space<hbm>>) target(%dma_start3A_35 : memref<128x64xf32, #tpu.memory_space<vmem>>) offsets(%dma_start3A_38 : memref<128xi32, #tpu.memory_space<vmem>>) semaphore(%arg9 : memref<!tpu.dma_semaphore, #tpu.memory_space<semaphore_mem>>)
    %dma_start3A_42 = arith.constant 4 : i32
    %dma_start3A_43 = arith.constant 0 : i32
    %dma_start3A_44 = arith.constant 0 : i32
    %dma_start3A_45 = tpu.memref_slice %arg7[%dma_start3A_43, %dma_start3A_44] : memref<512x64xf32, #tpu.memory_space<vmem>> -> memref<128x64xf32, #tpu.memory_space<vmem>>
    %dma_start3A_46 = arith.constant 0 : i32
    %dma_start3A_47 = tpu.memref_slice %arg5[%dma_start3A_42, %dma_start3A_46] : memref<16x128xi32, #tpu.memory_space<vmem>> -> memref<1x128xi32, #tpu.memory_space<vmem>>
    %dma_start3A_48 = tpu.memref_squeeze %dma_start3A_47 : memref<1x128xi32, #tpu.memory_space<vmem>> -> memref<128xi32, #tpu.memory_space<vmem>>
    %dma_start3A_49 = arith.constant 0 : i32
    %dma_start3A_50 = arith.constant 0 : i32
    %dma_start3A_51 = tpu.memref_slice %arg2[%dma_start3A_49, %dma_start3A_50] : memref<512x64xf32, #tpu.memory_space<hbm>> -> memref<512x64xf32, #tpu.memory_space<hbm>>
    tpu.enqueue_indirect_dma source(%dma_start3A_51 : memref<512x64xf32, #tpu.memory_space<hbm>>) target(%dma_start3A_45 : memref<128x64xf32, #tpu.memory_space<vmem>>) offsets(%dma_start3A_48 : memref<128xi32, #tpu.memory_space<vmem>>) semaphore(%arg10 : memref<!tpu.dma_semaphore, #tpu.memory_space<semaphore_mem>>)
    %dma_start3A_52 = arith.constant 5 : i32
    %dma_start3A_53 = arith.constant 128 : i32
    %dma_start3A_54 = arith.constant 0 : i32
    %dma_start3A_55 = tpu.memref_slice %arg7[%dma_start3A_53, %dma_start3A_54] : memref<512x64xf32, #tpu.memory_space<vmem>> -> memref<128x64xf32, #tpu.memory_space<vmem>>
    %dma_start3A_56 = arith.constant 0 : i32
    %dma_start3A_57 = tpu.memref_slice %arg5[%dma_start3A_52, %dma_start3A_56] : memref<16x128xi32, #tpu.memory_space<vmem>> -> memref<1x128xi32, #tpu.memory_space<vmem>>
    %dma_start3A_58 = tpu.memref_squeeze %dma_start3A_57 : memref<1x128xi32, #tpu.memory_space<vmem>> -> memref<128xi32, #tpu.memory_space<vmem>>
    %dma_start3A_59 = arith.constant 0 : i32
    %dma_start3A_60 = arith.constant 0 : i32
    %dma_start3A_61 = tpu.memref_slice %arg2[%dma_start3A_59, %dma_start3A_60] : memref<512x64xf32, #tpu.memory_space<hbm>> -> memref<512x64xf32, #tpu.memory_space<hbm>>
    tpu.enqueue_indirect_dma source(%dma_start3A_61 : memref<512x64xf32, #tpu.memory_space<hbm>>) target(%dma_start3A_55 : memref<128x64xf32, #tpu.memory_space<vmem>>) offsets(%dma_start3A_58 : memref<128xi32, #tpu.memory_space<vmem>>) semaphore(%arg10 : memref<!tpu.dma_semaphore, #tpu.memory_space<semaphore_mem>>)
    %dma_start3A_62 = arith.constant 6 : i32
    %dma_start3A_63 = arith.constant 256 : i32
    %dma_start3A_64 = arith.constant 0 : i32
    %dma_start3A_65 = tpu.memref_slice %arg7[%dma_start3A_63, %dma_start3A_64] : memref<512x64xf32, #tpu.memory_space<vmem>> -> memref<128x64xf32, #tpu.memory_space<vmem>>
    %dma_start3A_66 = arith.constant 0 : i32
    %dma_start3A_67 = tpu.memref_slice %arg5[%dma_start3A_62, %dma_start3A_66] : memref<16x128xi32, #tpu.memory_space<vmem>> -> memref<1x128xi32, #tpu.memory_space<vmem>>
    %dma_start3A_68 = tpu.memref_squeeze %dma_start3A_67 : memref<1x128xi32, #tpu.memory_space<vmem>> -> memref<128xi32, #tpu.memory_space<vmem>>
    %dma_start3A_69 = arith.constant 0 : i32
    %dma_start3A_70 = arith.constant 0 : i32
    %dma_start3A_71 = tpu.memref_slice %arg2[%dma_start3A_69, %dma_start3A_70] : memref<512x64xf32, #tpu.memory_space<hbm>> -> memref<512x64xf32, #tpu.memory_space<hbm>>
    tpu.enqueue_indirect_dma source(%dma_start3A_71 : memref<512x64xf32, #tpu.memory_space<hbm>>) target(%dma_start3A_65 : memref<128x64xf32, #tpu.memory_space<vmem>>) offsets(%dma_start3A_68 : memref<128xi32, #tpu.memory_space<vmem>>) semaphore(%arg10 : memref<!tpu.dma_semaphore, #tpu.memory_space<semaphore_mem>>)
    %dma_start3A_72 = arith.constant 7 : i32
    %dma_start3A_73 = arith.constant 384 : i32
    %dma_start3A_74 = arith.constant 0 : i32
    %dma_start3A_75 = tpu.memref_slice %arg7[%dma_start3A_73, %dma_start3A_74] : memref<512x64xf32, #tpu.memory_space<vmem>> -> memref<128x64xf32, #tpu.memory_space<vmem>>
    %dma_start3A_76 = arith.constant 0 : i32
    %dma_start3A_77 = tpu.memref_slice %arg5[%dma_start3A_72, %dma_start3A_76] : memref<16x128xi32, #tpu.memory_space<vmem>> -> memref<1x128xi32, #tpu.memory_space<vmem>>
    %dma_start3A_78 = tpu.memref_squeeze %dma_start3A_77 : memref<1x128xi32, #tpu.memory_space<vmem>> -> memref<128xi32, #tpu.memory_space<vmem>>
    %dma_start3A_79 = arith.constant 0 : i32
    %dma_start3A_80 = arith.constant 0 : i32
    %dma_start3A_81 = tpu.memref_slice %arg2[%dma_start3A_79, %dma_start3A_80] : memref<512x64xf32, #tpu.memory_space<hbm>> -> memref<512x64xf32, #tpu.memory_space<hbm>>
    tpu.enqueue_indirect_dma source(%dma_start3A_81 : memref<512x64xf32, #tpu.memory_space<hbm>>) target(%dma_start3A_75 : memref<128x64xf32, #tpu.memory_space<vmem>>) offsets(%dma_start3A_78 : memref<128xi32, #tpu.memory_space<vmem>>) semaphore(%arg10 : memref<!tpu.dma_semaphore, #tpu.memory_space<semaphore_mem>>)
    %dma_start3A_82 = arith.constant 8 : i32
    %dma_start3A_83 = arith.constant 0 : i32
    %dma_start3A_84 = arith.constant 0 : i32
    %dma_start3A_85 = tpu.memref_slice %arg8[%dma_start3A_83, %dma_start3A_84] : memref<512x64xf32, #tpu.memory_space<vmem>> -> memref<128x64xf32, #tpu.memory_space<vmem>>
    %dma_start3A_86 = arith.constant 0 : i32
    %dma_start3A_87 = tpu.memref_slice %arg5[%dma_start3A_82, %dma_start3A_86] : memref<16x128xi32, #tpu.memory_space<vmem>> -> memref<1x128xi32, #tpu.memory_space<vmem>>
    %dma_start3A_88 = tpu.memref_squeeze %dma_start3A_87 : memref<1x128xi32, #tpu.memory_space<vmem>> -> memref<128xi32, #tpu.memory_space<vmem>>
    %dma_start3A_89 = arith.constant 0 : i32
    %dma_start3A_90 = arith.constant 0 : i32
    %dma_start3A_91 = tpu.memref_slice %arg2[%dma_start3A_89, %dma_start3A_90] : memref<512x64xf32, #tpu.memory_space<hbm>> -> memref<512x64xf32, #tpu.memory_space<hbm>>
    tpu.enqueue_indirect_dma source(%dma_start3A_91 : memref<512x64xf32, #tpu.memory_space<hbm>>) target(%dma_start3A_85 : memref<128x64xf32, #tpu.memory_space<vmem>>) offsets(%dma_start3A_88 : memref<128xi32, #tpu.memory_space<vmem>>) semaphore(%arg11 : memref<!tpu.dma_semaphore, #tpu.memory_space<semaphore_mem>>)
    %dma_start3A_92 = arith.constant 9 : i32
    %dma_start3A_93 = arith.constant 128 : i32
    %dma_start3A_94 = arith.constant 0 : i32
    %dma_start3A_95 = tpu.memref_slice %arg8[%dma_start3A_93, %dma_start3A_94] : memref<512x64xf32, #tpu.memory_space<vmem>> -> memref<128x64xf32, #tpu.memory_space<vmem>>
    %dma_start3A_96 = arith.constant 0 : i32
    %dma_start3A_97 = tpu.memref_slice %arg5[%dma_start3A_92, %dma_start3A_96] : memref<16x128xi32, #tpu.memory_space<vmem>> -> memref<1x128xi32, #tpu.memory_space<vmem>>
    %dma_start3A_98 = tpu.memref_squeeze %dma_start3A_97 : memref<1x128xi32, #tpu.memory_space<vmem>> -> memref<128xi32, #tpu.memory_space<vmem>>
    %dma_start3A_99 = arith.constant 0 : i32
    %dma_start3A_100 = arith.constant 0 : i32
    %dma_start3A_101 = tpu.memref_slice %arg2[%dma_start3A_99, %dma_start3A_100] : memref<512x64xf32, #tpu.memory_space<hbm>> -> memref<512x64xf32, #tpu.memory_space<hbm>>
    tpu.enqueue_indirect_dma source(%dma_start3A_101 : memref<512x64xf32, #tpu.memory_space<hbm>>) target(%dma_start3A_95 : memref<128x64xf32, #tpu.memory_space<vmem>>) offsets(%dma_start3A_98 : memref<128xi32, #tpu.memory_space<vmem>>) semaphore(%arg11 : memref<!tpu.dma_semaphore, #tpu.memory_space<semaphore_mem>>)
    %dma_start3A_102 = arith.constant 10 : i32
    %dma_start3A_103 = arith.constant 256 : i32
    %dma_start3A_104 = arith.constant 0 : i32
    %dma_start3A_105 = tpu.memref_slice %arg8[%dma_start3A_103, %dma_start3A_104] : memref<512x64xf32, #tpu.memory_space<vmem>> -> memref<128x64xf32, #tpu.memory_space<vmem>>
    %dma_start3A_106 = arith.constant 0 : i32
    %dma_start3A_107 = tpu.memref_slice %arg5[%dma_start3A_102, %dma_start3A_106] : memref<16x128xi32, #tpu.memory_space<vmem>> -> memref<1x128xi32, #tpu.memory_space<vmem>>
    %dma_start3A_108 = tpu.memref_squeeze %dma_start3A_107 : memref<1x128xi32, #tpu.memory_space<vmem>> -> memref<128xi32, #tpu.memory_space<vmem>>
    %dma_start3A_109 = arith.constant 0 : i32
    %dma_start3A_110 = arith.constant 0 : i32
    %dma_start3A_111 = tpu.memref_slice %arg2[%dma_start3A_109, %dma_start3A_110] : memref<512x64xf32, #tpu.memory_space<hbm>> -> memref<512x64xf32, #tpu.memory_space<hbm>>
    tpu.enqueue_indirect_dma source(%dma_start3A_111 : memref<512x64xf32, #tpu.memory_space<hbm>>) target(%dma_start3A_105 : memref<128x64xf32, #tpu.memory_space<vmem>>) offsets(%dma_start3A_108 : memref<128xi32, #tpu.memory_space<vmem>>) semaphore(%arg11 : memref<!tpu.dma_semaphore, #tpu.memory_space<semaphore_mem>>)
    %dma_start3A_112 = arith.constant 11 : i32
    %dma_start3A_113 = arith.constant 384 : i32
    %dma_start3A_114 = arith.constant 0 : i32
    %dma_start3A_115 = tpu.memref_slice %arg8[%dma_start3A_113, %dma_start3A_114] : memref<512x64xf32, #tpu.memory_space<vmem>> -> memref<128x64xf32, #tpu.memory_space<vmem>>
    %dma_start3A_116 = arith.constant 0 : i32
    %dma_start3A_117 = tpu.memref_slice %arg5[%dma_start3A_112, %dma_start3A_116] : memref<16x128xi32, #tpu.memory_space<vmem>> -> memref<1x128xi32, #tpu.memory_space<vmem>>
    %dma_start3A_118 = tpu.memref_squeeze %dma_start3A_117 : memref<1x128xi32, #tpu.memory_space<vmem>> -> memref<128xi32, #tpu.memory_space<vmem>>
    %dma_start3A_119 = arith.constant 0 : i32
    %dma_start3A_120 = arith.constant 0 : i32
    %dma_start3A_121 = tpu.memref_slice %arg2[%dma_start3A_119, %dma_start3A_120] : memref<512x64xf32, #tpu.memory_space<hbm>> -> memref<512x64xf32, #tpu.memory_space<hbm>>
    tpu.enqueue_indirect_dma source(%dma_start3A_121 : memref<512x64xf32, #tpu.memory_space<hbm>>) target(%dma_start3A_115 : memref<128x64xf32, #tpu.memory_space<vmem>>) offsets(%dma_start3A_118 : memref<128xi32, #tpu.memory_space<vmem>>) semaphore(%arg11 : memref<!tpu.dma_semaphore, #tpu.memory_space<semaphore_mem>>)
    %dma_wait3A = arith.constant 0 : i32
    %dma_wait3A_122 = arith.constant 0 : i32
    %dma_wait3A_123 = arith.constant 0 : i32
    %dma_wait3A_124 = tpu.memref_slice %arg6[%dma_wait3A_122, %dma_wait3A_123] : memref<512x64xf32, #tpu.memory_space<vmem>> -> memref<128x64xf32, #tpu.memory_space<vmem>>
    %dma_wait3A_125 = arith.constant 0 : i32
    %dma_wait3A_126 = tpu.memref_slice %arg5[%dma_wait3A, %dma_wait3A_125] : memref<16x128xi32, #tpu.memory_space<vmem>> -> memref<1x128xi32, #tpu.memory_space<vmem>>
    %dma_wait3A_127 = tpu.memref_squeeze %dma_wait3A_126 : memref<1x128xi32, #tpu.memory_space<vmem>> -> memref<128xi32, #tpu.memory_space<vmem>>
    %dma_wait3A_128 = arith.constant 0 : i32
    %dma_wait3A_129 = arith.constant 0 : i32
    %dma_wait3A_130 = tpu.memref_slice %arg2[%dma_wait3A_128, %dma_wait3A_129] : memref<512x64xf32, #tpu.memory_space<hbm>> -> memref<512x64xf32, #tpu.memory_space<hbm>>
    tpu.wait_indirect_dma semaphore(%arg9 : memref<!tpu.dma_semaphore, #tpu.memory_space<semaphore_mem>>) src(%dma_wait3A_130 : memref<512x64xf32, #tpu.memory_space<hbm>>) dst(%dma_wait3A_124 : memref<128x64xf32, #tpu.memory_space<vmem>>)
    %dma_wait3A_131 = arith.constant 1 : i32
    %dma_wait3A_132 = arith.constant 128 : i32
    %dma_wait3A_133 = arith.constant 0 : i32
    %dma_wait3A_134 = tpu.memref_slice %arg6[%dma_wait3A_132, %dma_wait3A_133] : memref<512x64xf32, #tpu.memory_space<vmem>> -> memref<128x64xf32, #tpu.memory_space<vmem>>
    %dma_wait3A_135 = arith.constant 0 : i32
    %dma_wait3A_136 = tpu.memref_slice %arg5[%dma_wait3A_131, %dma_wait3A_135] : memref<16x128xi32, #tpu.memory_space<vmem>> -> memref<1x128xi32, #tpu.memory_space<vmem>>
    %dma_wait3A_137 = tpu.memref_squeeze %dma_wait3A_136 : memref<1x128xi32, #tpu.memory_space<vmem>> -> memref<128xi32, #tpu.memory_space<vmem>>
    %dma_wait3A_138 = arith.constant 0 : i32
    %dma_wait3A_139 = arith.constant 0 : i32
    %dma_wait3A_140 = tpu.memref_slice %arg2[%dma_wait3A_138, %dma_wait3A_139] : memref<512x64xf32, #tpu.memory_space<hbm>> -> memref<512x64xf32, #tpu.memory_space<hbm>>
    tpu.wait_indirect_dma semaphore(%arg9 : memref<!tpu.dma_semaphore, #tpu.memory_space<semaphore_mem>>) src(%dma_wait3A_140 : memref<512x64xf32, #tpu.memory_space<hbm>>) dst(%dma_wait3A_134 : memref<128x64xf32, #tpu.memory_space<vmem>>)
    %dma_wait3A_141 = arith.constant 2 : i32
    %dma_wait3A_142 = arith.constant 256 : i32
    %dma_wait3A_143 = arith.constant 0 : i32
    %dma_wait3A_144 = tpu.memref_slice %arg6[%dma_wait3A_142, %dma_wait3A_143] : memref<512x64xf32, #tpu.memory_space<vmem>> -> memref<128x64xf32, #tpu.memory_space<vmem>>
    %dma_wait3A_145 = arith.constant 0 : i32
    %dma_wait3A_146 = tpu.memref_slice %arg5[%dma_wait3A_141, %dma_wait3A_145] : memref<16x128xi32, #tpu.memory_space<vmem>> -> memref<1x128xi32, #tpu.memory_space<vmem>>
    %dma_wait3A_147 = tpu.memref_squeeze %dma_wait3A_146 : memref<1x128xi32, #tpu.memory_space<vmem>> -> memref<128xi32, #tpu.memory_space<vmem>>
    %dma_wait3A_148 = arith.constant 0 : i32
    %dma_wait3A_149 = arith.constant 0 : i32
    %dma_wait3A_150 = tpu.memref_slice %arg2[%dma_wait3A_148, %dma_wait3A_149] : memref<512x64xf32, #tpu.memory_space<hbm>> -> memref<512x64xf32, #tpu.memory_space<hbm>>
    tpu.wait_indirect_dma semaphore(%arg9 : memref<!tpu.dma_semaphore, #tpu.memory_space<semaphore_mem>>) src(%dma_wait3A_150 : memref<512x64xf32, #tpu.memory_space<hbm>>) dst(%dma_wait3A_144 : memref<128x64xf32, #tpu.memory_space<vmem>>)
    %dma_wait3A_151 = arith.constant 3 : i32
    %dma_wait3A_152 = arith.constant 384 : i32
    %dma_wait3A_153 = arith.constant 0 : i32
    %dma_wait3A_154 = tpu.memref_slice %arg6[%dma_wait3A_152, %dma_wait3A_153] : memref<512x64xf32, #tpu.memory_space<vmem>> -> memref<128x64xf32, #tpu.memory_space<vmem>>
    %dma_wait3A_155 = arith.constant 0 : i32
    %dma_wait3A_156 = tpu.memref_slice %arg5[%dma_wait3A_151, %dma_wait3A_155] : memref<16x128xi32, #tpu.memory_space<vmem>> -> memref<1x128xi32, #tpu.memory_space<vmem>>
    %dma_wait3A_157 = tpu.memref_squeeze %dma_wait3A_156 : memref<1x128xi32, #tpu.memory_space<vmem>> -> memref<128xi32, #tpu.memory_space<vmem>>
    %dma_wait3A_158 = arith.constant 0 : i32
    %dma_wait3A_159 = arith.constant 0 : i32
    %dma_wait3A_160 = tpu.memref_slice %arg2[%dma_wait3A_158, %dma_wait3A_159] : memref<512x64xf32, #tpu.memory_space<hbm>> -> memref<512x64xf32, #tpu.memory_space<hbm>>
    tpu.wait_indirect_dma semaphore(%arg9 : memref<!tpu.dma_semaphore, #tpu.memory_space<semaphore_mem>>) src(%dma_wait3A_160 : memref<512x64xf32, #tpu.memory_space<hbm>>) dst(%dma_wait3A_154 : memref<128x64xf32, #tpu.memory_space<vmem>>)
    %mul3A_161 = arith.constant 2048 : i32
    %mul3A_162 = arith.muli %add3A, %mul3A_161 : i32
    %add3A_163 = arith.constant 0 : i32
    %add3A_164 = arith.addi %mul3A_162, %add3A_163 : i32
    %dma_start3A_165 = arith.constant 0 : i32
    %dma_start3A_166 = tpu.memref_slice %arg4[%add3A_164, %dma_start3A_165] : memref<65536x64xf32, #tpu.memory_space<hbm>> -> memref<512x64xf32, #tpu.memory_space<hbm>>
    %dma_start3A_167 = arith.constant 0 : i32
    %dma_start3A_168 = tpu.memref_slice %arg4[%add3A_164, %dma_start3A_167] : memref<65536x64xf32, #tpu.memory_space<hbm>> -> memref<512x64xf32, #tpu.memory_space<hbm>>
    tpu.enqueue_dma source(%arg6 : memref<512x64xf32, #tpu.memory_space<vmem>>) target(%dma_start3A_168 : memref<512x64xf32, #tpu.memory_space<hbm>>) target_semaphore(%arg12 : memref<!tpu.dma_semaphore, #tpu.memory_space<semaphore_mem>>)
    %dma_wait3A_169 = arith.constant 0 : i32
    %dma_wait3A_170 = tpu.memref_slice %arg4[%add3A_164, %dma_wait3A_169] : memref<65536x64xf32, #tpu.memory_space<hbm>> -> memref<512x64xf32, #tpu.memory_space<hbm>>
    %dma_wait3A_171 = arith.constant 0 : i32
    %dma_wait3A_172 = tpu.memref_slice %arg4[%add3A_164, %dma_wait3A_171] : memref<65536x64xf32, #tpu.memory_space<hbm>> -> memref<512x64xf32, #tpu.memory_space<hbm>>
    tpu.wait_dma2 semaphore(%arg12 : memref<!tpu.dma_semaphore, #tpu.memory_space<semaphore_mem>>) src(%arg6 : memref<512x64xf32, #tpu.memory_space<vmem>>) dst(%dma_wait3A_172 : memref<512x64xf32, #tpu.memory_space<hbm>>)
    %dma_start3A_173 = arith.constant 12 : i32
    %dma_start3A_174 = arith.constant 0 : i32
    %dma_start3A_175 = arith.constant 0 : i32
    %dma_start3A_176 = tpu.memref_slice %arg6[%dma_start3A_174, %dma_start3A_175] : memref<512x64xf32, #tpu.memory_space<vmem>> -> memref<128x64xf32, #tpu.memory_space<vmem>>
    %dma_start3A_177 = arith.constant 0 : i32
    %dma_start3A_178 = tpu.memref_slice %arg5[%dma_start3A_173, %dma_start3A_177] : memref<16x128xi32, #tpu.memory_space<vmem>> -> memref<1x128xi32, #tpu.memory_space<vmem>>
    %dma_start3A_179 = tpu.memref_squeeze %dma_start3A_178 : memref<1x128xi32, #tpu.memory_space<vmem>> -> memref<128xi32, #tpu.memory_space<vmem>>
    %dma_start3A_180 = arith.constant 0 : i32
    %dma_start3A_181 = arith.constant 0 : i32
    %dma_start3A_182 = tpu.memref_slice %arg2[%dma_start3A_180, %dma_start3A_181] : memref<512x64xf32, #tpu.memory_space<hbm>> -> memref<512x64xf32, #tpu.memory_space<hbm>>
    tpu.enqueue_indirect_dma source(%dma_start3A_182 : memref<512x64xf32, #tpu.memory_space<hbm>>) target(%dma_start3A_176 : memref<128x64xf32, #tpu.memory_space<vmem>>) offsets(%dma_start3A_179 : memref<128xi32, #tpu.memory_space<vmem>>) semaphore(%arg9 : memref<!tpu.dma_semaphore, #tpu.memory_space<semaphore_mem>>)
    %dma_start3A_183 = arith.constant 13 : i32
    %dma_start3A_184 = arith.constant 128 : i32
    %dma_start3A_185 = arith.constant 0 : i32
    %dma_start3A_186 = tpu.memref_slice %arg6[%dma_start3A_184, %dma_start3A_185] : memref<512x64xf32, #tpu.memory_space<vmem>> -> memref<128x64xf32, #tpu.memory_space<vmem>>
    %dma_start3A_187 = arith.constant 0 : i32
    %dma_start3A_188 = tpu.memref_slice %arg5[%dma_start3A_183, %dma_start3A_187] : memref<16x128xi32, #tpu.memory_space<vmem>> -> memref<1x128xi32, #tpu.memory_space<vmem>>
    %dma_start3A_189 = tpu.memref_squeeze %dma_start3A_188 : memref<1x128xi32, #tpu.memory_space<vmem>> -> memref<128xi32, #tpu.memory_space<vmem>>
    %dma_start3A_190 = arith.constant 0 : i32
    %dma_start3A_191 = arith.constant 0 : i32
    %dma_start3A_192 = tpu.memref_slice %arg2[%dma_start3A_190, %dma_start3A_191] : memref<512x64xf32, #tpu.memory_space<hbm>> -> memref<512x64xf32, #tpu.memory_space<hbm>>
    tpu.enqueue_indirect_dma source(%dma_start3A_192 : memref<512x64xf32, #tpu.memory_space<hbm>>) target(%dma_start3A_186 : memref<128x64xf32, #tpu.memory_space<vmem>>) offsets(%dma_start3A_189 : memref<128xi32, #tpu.memory_space<vmem>>) semaphore(%arg9 : memref<!tpu.dma_semaphore, #tpu.memory_space<semaphore_mem>>)
    %dma_start3A_193 = arith.constant 14 : i32
    %dma_start3A_194 = arith.constant 256 : i32
    %dma_start3A_195 = arith.constant 0 : i32
    %dma_start3A_196 = tpu.memref_slice %arg6[%dma_start3A_194, %dma_start3A_195] : memref<512x64xf32, #tpu.memory_space<vmem>> -> memref<128x64xf32, #tpu.memory_space<vmem>>
    %dma_start3A_197 = arith.constant 0 : i32
    %dma_start3A_198 = tpu.memref_slice %arg5[%dma_start3A_193, %dma_start3A_197] : memref<16x128xi32, #tpu.memory_space<vmem>> -> memref<1x128xi32, #tpu.memory_space<vmem>>
    %dma_start3A_199 = tpu.memref_squeeze %dma_start3A_198 : memref<1x128xi32, #tpu.memory_space<vmem>> -> memref<128xi32, #tpu.memory_space<vmem>>
    %dma_start3A_200 = arith.constant 0 : i32
    %dma_start3A_201 = arith.constant 0 : i32
    %dma_start3A_202 = tpu.memref_slice %arg2[%dma_start3A_200, %dma_start3A_201] : memref<512x64xf32, #tpu.memory_space<hbm>> -> memref<512x64xf32, #tpu.memory_space<hbm>>
    tpu.enqueue_indirect_dma source(%dma_start3A_202 : memref<512x64xf32, #tpu.memory_space<hbm>>) target(%dma_start3A_196 : memref<128x64xf32, #tpu.memory_space<vmem>>) offsets(%dma_start3A_199 : memref<128xi32, #tpu.memory_space<vmem>>) semaphore(%arg9 : memref<!tpu.dma_semaphore, #tpu.memory_space<semaphore_mem>>)
    %dma_start3A_203 = arith.constant 15 : i32
    %dma_start3A_204 = arith.constant 384 : i32
    %dma_start3A_205 = arith.constant 0 : i32
    %dma_start3A_206 = tpu.memref_slice %arg6[%dma_start3A_204, %dma_start3A_205] : memref<512x64xf32, #tpu.memory_space<vmem>> -> memref<128x64xf32, #tpu.memory_space<vmem>>
    %dma_start3A_207 = arith.constant 0 : i32
    %dma_start3A_208 = tpu.memref_slice %arg5[%dma_start3A_203, %dma_start3A_207] : memref<16x128xi32, #tpu.memory_space<vmem>> -> memref<1x128xi32, #tpu.memory_space<vmem>>
    %dma_start3A_209 = tpu.memref_squeeze %dma_start3A_208 : memref<1x128xi32, #tpu.memory_space<vmem>> -> memref<128xi32, #tpu.memory_space<vmem>>
    %dma_start3A_210 = arith.constant 0 : i32
    %dma_start3A_211 = arith.constant 0 : i32
    %dma_start3A_212 = tpu.memref_slice %arg2[%dma_start3A_210, %dma_start3A_211] : memref<512x64xf32, #tpu.memory_space<hbm>> -> memref<512x64xf32, #tpu.memory_space<hbm>>
    tpu.enqueue_indirect_dma source(%dma_start3A_212 : memref<512x64xf32, #tpu.memory_space<hbm>>) target(%dma_start3A_206 : memref<128x64xf32, #tpu.memory_space<vmem>>) offsets(%dma_start3A_209 : memref<128xi32, #tpu.memory_space<vmem>>) semaphore(%arg9 : memref<!tpu.dma_semaphore, #tpu.memory_space<semaphore_mem>>)
    %dma_wait3A_213 = arith.constant 4 : i32
    %dma_wait3A_214 = arith.constant 0 : i32
    %dma_wait3A_215 = arith.constant 0 : i32
    %dma_wait3A_216 = tpu.memref_slice %arg7[%dma_wait3A_214, %dma_wait3A_215] : memref<512x64xf32, #tpu.memory_space<vmem>> -> memref<128x64xf32, #tpu.memory_space<vmem>>
    %dma_wait3A_217 = arith.constant 0 : i32
    %dma_wait3A_218 = tpu.memref_slice %arg5[%dma_wait3A_213, %dma_wait3A_217] : memref<16x128xi32, #tpu.memory_space<vmem>> -> memref<1x128xi32, #tpu.memory_space<vmem>>
    %dma_wait3A_219 = tpu.memref_squeeze %dma_wait3A_218 : memref<1x128xi32, #tpu.memory_space<vmem>> -> memref<128xi32, #tpu.memory_space<vmem>>
    %dma_wait3A_220 = arith.constant 0 : i32
    %dma_wait3A_221 = arith.constant 0 : i32
    %dma_wait3A_222 = tpu.memref_slice %arg2[%dma_wait3A_220, %dma_wait3A_221] : memref<512x64xf32, #tpu.memory_space<hbm>> -> memref<512x64xf32, #tpu.memory_space<hbm>>
    tpu.wait_indirect_dma semaphore(%arg10 : memref<!tpu.dma_semaphore, #tpu.memory_space<semaphore_mem>>) src(%dma_wait3A_222 : memref<512x64xf32, #tpu.memory_space<hbm>>) dst(%dma_wait3A_216 : memref<128x64xf32, #tpu.memory_space<vmem>>)
    %dma_wait3A_223 = arith.constant 5 : i32
    %dma_wait3A_224 = arith.constant 128 : i32
    %dma_wait3A_225 = arith.constant 0 : i32
    %dma_wait3A_226 = tpu.memref_slice %arg7[%dma_wait3A_224, %dma_wait3A_225] : memref<512x64xf32, #tpu.memory_space<vmem>> -> memref<128x64xf32, #tpu.memory_space<vmem>>
    %dma_wait3A_227 = arith.constant 0 : i32
    %dma_wait3A_228 = tpu.memref_slice %arg5[%dma_wait3A_223, %dma_wait3A_227] : memref<16x128xi32, #tpu.memory_space<vmem>> -> memref<1x128xi32, #tpu.memory_space<vmem>>
    %dma_wait3A_229 = tpu.memref_squeeze %dma_wait3A_228 : memref<1x128xi32, #tpu.memory_space<vmem>> -> memref<128xi32, #tpu.memory_space<vmem>>
    %dma_wait3A_230 = arith.constant 0 : i32
    %dma_wait3A_231 = arith.constant 0 : i32
    %dma_wait3A_232 = tpu.memref_slice %arg2[%dma_wait3A_230, %dma_wait3A_231] : memref<512x64xf32, #tpu.memory_space<hbm>> -> memref<512x64xf32, #tpu.memory_space<hbm>>
    tpu.wait_indirect_dma semaphore(%arg10 : memref<!tpu.dma_semaphore, #tpu.memory_space<semaphore_mem>>) src(%dma_wait3A_232 : memref<512x64xf32, #tpu.memory_space<hbm>>) dst(%dma_wait3A_226 : memref<128x64xf32, #tpu.memory_space<vmem>>)
    %dma_wait3A_233 = arith.constant 6 : i32
    %dma_wait3A_234 = arith.constant 256 : i32
    %dma_wait3A_235 = arith.constant 0 : i32
    %dma_wait3A_236 = tpu.memref_slice %arg7[%dma_wait3A_234, %dma_wait3A_235] : memref<512x64xf32, #tpu.memory_space<vmem>> -> memref<128x64xf32, #tpu.memory_space<vmem>>
    %dma_wait3A_237 = arith.constant 0 : i32
    %dma_wait3A_238 = tpu.memref_slice %arg5[%dma_wait3A_233, %dma_wait3A_237] : memref<16x128xi32, #tpu.memory_space<vmem>> -> memref<1x128xi32, #tpu.memory_space<vmem>>
    %dma_wait3A_239 = tpu.memref_squeeze %dma_wait3A_238 : memref<1x128xi32, #tpu.memory_space<vmem>> -> memref<128xi32, #tpu.memory_space<vmem>>
    %dma_wait3A_240 = arith.constant 0 : i32
    %dma_wait3A_241 = arith.constant 0 : i32
    %dma_wait3A_242 = tpu.memref_slice %arg2[%dma_wait3A_240, %dma_wait3A_241] : memref<512x64xf32, #tpu.memory_space<hbm>> -> memref<512x64xf32, #tpu.memory_space<hbm>>
    tpu.wait_indirect_dma semaphore(%arg10 : memref<!tpu.dma_semaphore, #tpu.memory_space<semaphore_mem>>) src(%dma_wait3A_242 : memref<512x64xf32, #tpu.memory_space<hbm>>) dst(%dma_wait3A_236 : memref<128x64xf32, #tpu.memory_space<vmem>>)
    %dma_wait3A_243 = arith.constant 7 : i32
    %dma_wait3A_244 = arith.constant 384 : i32
    %dma_wait3A_245 = arith.constant 0 : i32
    %dma_wait3A_246 = tpu.memref_slice %arg7[%dma_wait3A_244, %dma_wait3A_245] : memref<512x64xf32, #tpu.memory_space<vmem>> -> memref<128x64xf32, #tpu.memory_space<vmem>>
    %dma_wait3A_247 = arith.constant 0 : i32
    %dma_wait3A_248 = tpu.memref_slice %arg5[%dma_wait3A_243, %dma_wait3A_247] : memref<16x128xi32, #tpu.memory_space<vmem>> -> memref<1x128xi32, #tpu.memory_space<vmem>>
    %dma_wait3A_249 = tpu.memref_squeeze %dma_wait3A_248 : memref<1x128xi32, #tpu.memory_space<vmem>> -> memref<128xi32, #tpu.memory_space<vmem>>
    %dma_wait3A_250 = arith.constant 0 : i32
    %dma_wait3A_251 = arith.constant 0 : i32
    %dma_wait3A_252 = tpu.memref_slice %arg2[%dma_wait3A_250, %dma_wait3A_251] : memref<512x64xf32, #tpu.memory_space<hbm>> -> memref<512x64xf32, #tpu.memory_space<hbm>>
    tpu.wait_indirect_dma semaphore(%arg10 : memref<!tpu.dma_semaphore, #tpu.memory_space<semaphore_mem>>) src(%dma_wait3A_252 : memref<512x64xf32, #tpu.memory_space<hbm>>) dst(%dma_wait3A_246 : memref<128x64xf32, #tpu.memory_space<vmem>>)
    %mul3A_253 = arith.constant 2048 : i32
    %mul3A_254 = arith.muli %add3A, %mul3A_253 : i32
    %add3A_255 = arith.constant 512 : i32
    %add3A_256 = arith.addi %mul3A_254, %add3A_255 : i32
    %dma_start3A_257 = arith.constant 0 : i32
    %dma_start3A_258 = tpu.memref_slice %arg4[%add3A_256, %dma_start3A_257] : memref<65536x64xf32, #tpu.memory_space<hbm>> -> memref<512x64xf32, #tpu.memory_space<hbm>>
    %dma_start3A_259 = arith.constant 0 : i32
    %dma_start3A_260 = tpu.memref_slice %arg4[%add3A_256, %dma_start3A_259] : memref<65536x64xf32, #tpu.memory_space<hbm>> -> memref<512x64xf32, #tpu.memory_space<hbm>>
    tpu.enqueue_dma source(%arg7 : memref<512x64xf32, #tpu.memory_space<vmem>>) target(%dma_start3A_260 : memref<512x64xf32, #tpu.memory_space<hbm>>) target_semaphore(%arg13 : memref<!tpu.dma_semaphore, #tpu.memory_space<semaphore_mem>>)
    %dma_wait3A_261 = arith.constant 8 : i32
    %dma_wait3A_262 = arith.constant 0 : i32
    %dma_wait3A_263 = arith.constant 0 : i32
    %dma_wait3A_264 = tpu.memref_slice %arg8[%dma_wait3A_262, %dma_wait3A_263] : memref<512x64xf32, #tpu.memory_space<vmem>> -> memref<128x64xf32, #tpu.memory_space<vmem>>
    %dma_wait3A_265 = arith.constant 0 : i32
    %dma_wait3A_266 = tpu.memref_slice %arg5[%dma_wait3A_261, %dma_wait3A_265] : memref<16x128xi32, #tpu.memory_space<vmem>> -> memref<1x128xi32, #tpu.memory_space<vmem>>
    %dma_wait3A_267 = tpu.memref_squeeze %dma_wait3A_266 : memref<1x128xi32, #tpu.memory_space<vmem>> -> memref<128xi32, #tpu.memory_space<vmem>>
    %dma_wait3A_268 = arith.constant 0 : i32
    %dma_wait3A_269 = arith.constant 0 : i32
    %dma_wait3A_270 = tpu.memref_slice %arg2[%dma_wait3A_268, %dma_wait3A_269] : memref<512x64xf32, #tpu.memory_space<hbm>> -> memref<512x64xf32, #tpu.memory_space<hbm>>
    tpu.wait_indirect_dma semaphore(%arg11 : memref<!tpu.dma_semaphore, #tpu.memory_space<semaphore_mem>>) src(%dma_wait3A_270 : memref<512x64xf32, #tpu.memory_space<hbm>>) dst(%dma_wait3A_264 : memref<128x64xf32, #tpu.memory_space<vmem>>)
    %dma_wait3A_271 = arith.constant 9 : i32
    %dma_wait3A_272 = arith.constant 128 : i32
    %dma_wait3A_273 = arith.constant 0 : i32
    %dma_wait3A_274 = tpu.memref_slice %arg8[%dma_wait3A_272, %dma_wait3A_273] : memref<512x64xf32, #tpu.memory_space<vmem>> -> memref<128x64xf32, #tpu.memory_space<vmem>>
    %dma_wait3A_275 = arith.constant 0 : i32
    %dma_wait3A_276 = tpu.memref_slice %arg5[%dma_wait3A_271, %dma_wait3A_275] : memref<16x128xi32, #tpu.memory_space<vmem>> -> memref<1x128xi32, #tpu.memory_space<vmem>>
    %dma_wait3A_277 = tpu.memref_squeeze %dma_wait3A_276 : memref<1x128xi32, #tpu.memory_space<vmem>> -> memref<128xi32, #tpu.memory_space<vmem>>
    %dma_wait3A_278 = arith.constant 0 : i32
    %dma_wait3A_279 = arith.constant 0 : i32
    %dma_wait3A_280 = tpu.memref_slice %arg2[%dma_wait3A_278, %dma_wait3A_279] : memref<512x64xf32, #tpu.memory_space<hbm>> -> memref<512x64xf32, #tpu.memory_space<hbm>>
    tpu.wait_indirect_dma semaphore(%arg11 : memref<!tpu.dma_semaphore, #tpu.memory_space<semaphore_mem>>) src(%dma_wait3A_280 : memref<512x64xf32, #tpu.memory_space<hbm>>) dst(%dma_wait3A_274 : memref<128x64xf32, #tpu.memory_space<vmem>>)
    %dma_wait3A_281 = arith.constant 10 : i32
    %dma_wait3A_282 = arith.constant 256 : i32
    %dma_wait3A_283 = arith.constant 0 : i32
    %dma_wait3A_284 = tpu.memref_slice %arg8[%dma_wait3A_282, %dma_wait3A_283] : memref<512x64xf32, #tpu.memory_space<vmem>> -> memref<128x64xf32, #tpu.memory_space<vmem>>
    %dma_wait3A_285 = arith.constant 0 : i32
    %dma_wait3A_286 = tpu.memref_slice %arg5[%dma_wait3A_281, %dma_wait3A_285] : memref<16x128xi32, #tpu.memory_space<vmem>> -> memref<1x128xi32, #tpu.memory_space<vmem>>
    %dma_wait3A_287 = tpu.memref_squeeze %dma_wait3A_286 : memref<1x128xi32, #tpu.memory_space<vmem>> -> memref<128xi32, #tpu.memory_space<vmem>>
    %dma_wait3A_288 = arith.constant 0 : i32
    %dma_wait3A_289 = arith.constant 0 : i32
    %dma_wait3A_290 = tpu.memref_slice %arg2[%dma_wait3A_288, %dma_wait3A_289] : memref<512x64xf32, #tpu.memory_space<hbm>> -> memref<512x64xf32, #tpu.memory_space<hbm>>
    tpu.wait_indirect_dma semaphore(%arg11 : memref<!tpu.dma_semaphore, #tpu.memory_space<semaphore_mem>>) src(%dma_wait3A_290 : memref<512x64xf32, #tpu.memory_space<hbm>>) dst(%dma_wait3A_284 : memref<128x64xf32, #tpu.memory_space<vmem>>)
    %dma_wait3A_291 = arith.constant 11 : i32
    %dma_wait3A_292 = arith.constant 384 : i32
    %dma_wait3A_293 = arith.constant 0 : i32
    %dma_wait3A_294 = tpu.memref_slice %arg8[%dma_wait3A_292, %dma_wait3A_293] : memref<512x64xf32, #tpu.memory_space<vmem>> -> memref<128x64xf32, #tpu.memory_space<vmem>>
    %dma_wait3A_295 = arith.constant 0 : i32
    %dma_wait3A_296 = tpu.memref_slice %arg5[%dma_wait3A_291, %dma_wait3A_295] : memref<16x128xi32, #tpu.memory_space<vmem>> -> memref<1x128xi32, #tpu.memory_space<vmem>>
    %dma_wait3A_297 = tpu.memref_squeeze %dma_wait3A_296 : memref<1x128xi32, #tpu.memory_space<vmem>> -> memref<128xi32, #tpu.memory_space<vmem>>
    %dma_wait3A_298 = arith.constant 0 : i32
    %dma_wait3A_299 = arith.constant 0 : i32
    %dma_wait3A_300 = tpu.memref_slice %arg2[%dma_wait3A_298, %dma_wait3A_299] : memref<512x64xf32, #tpu.memory_space<hbm>> -> memref<512x64xf32, #tpu.memory_space<hbm>>
    tpu.wait_indirect_dma semaphore(%arg11 : memref<!tpu.dma_semaphore, #tpu.memory_space<semaphore_mem>>) src(%dma_wait3A_300 : memref<512x64xf32, #tpu.memory_space<hbm>>) dst(%dma_wait3A_294 : memref<128x64xf32, #tpu.memory_space<vmem>>)
    %mul3A_301 = arith.constant 2048 : i32
    %mul3A_302 = arith.muli %add3A, %mul3A_301 : i32
    %add3A_303 = arith.constant 1024 : i32
    %add3A_304 = arith.addi %mul3A_302, %add3A_303 : i32
    %dma_start3A_305 = arith.constant 0 : i32
    %dma_start3A_306 = tpu.memref_slice %arg4[%add3A_304, %dma_start3A_305] : memref<65536x64xf32, #tpu.memory_space<hbm>> -> memref<512x64xf32, #tpu.memory_space<hbm>>
    %dma_start3A_307 = arith.constant 0 : i32
    %dma_start3A_308 = tpu.memref_slice %arg4[%add3A_304, %dma_start3A_307] : memref<65536x64xf32, #tpu.memory_space<hbm>> -> memref<512x64xf32, #tpu.memory_space<hbm>>
    tpu.enqueue_dma source(%arg8 : memref<512x64xf32, #tpu.memory_space<vmem>>) target(%dma_start3A_308 : memref<512x64xf32, #tpu.memory_space<hbm>>) target_semaphore(%arg14 : memref<!tpu.dma_semaphore, #tpu.memory_space<semaphore_mem>>)
    %dma_wait3A_309 = arith.constant 12 : i32
    %dma_wait3A_310 = arith.constant 0 : i32
    %dma_wait3A_311 = arith.constant 0 : i32
    %dma_wait3A_312 = tpu.memref_slice %arg6[%dma_wait3A_310, %dma_wait3A_311] : memref<512x64xf32, #tpu.memory_space<vmem>> -> memref<128x64xf32, #tpu.memory_space<vmem>>
    %dma_wait3A_313 = arith.constant 0 : i32
    %dma_wait3A_314 = tpu.memref_slice %arg5[%dma_wait3A_309, %dma_wait3A_313] : memref<16x128xi32, #tpu.memory_space<vmem>> -> memref<1x128xi32, #tpu.memory_space<vmem>>
    %dma_wait3A_315 = tpu.memref_squeeze %dma_wait3A_314 : memref<1x128xi32, #tpu.memory_space<vmem>> -> memref<128xi32, #tpu.memory_space<vmem>>
    %dma_wait3A_316 = arith.constant 0 : i32
    %dma_wait3A_317 = arith.constant 0 : i32
    %dma_wait3A_318 = tpu.memref_slice %arg2[%dma_wait3A_316, %dma_wait3A_317] : memref<512x64xf32, #tpu.memory_space<hbm>> -> memref<512x64xf32, #tpu.memory_space<hbm>>
    tpu.wait_indirect_dma semaphore(%arg9 : memref<!tpu.dma_semaphore, #tpu.memory_space<semaphore_mem>>) src(%dma_wait3A_318 : memref<512x64xf32, #tpu.memory_space<hbm>>) dst(%dma_wait3A_312 : memref<128x64xf32, #tpu.memory_space<vmem>>)
    %dma_wait3A_319 = arith.constant 13 : i32
    %dma_wait3A_320 = arith.constant 128 : i32
    %dma_wait3A_321 = arith.constant 0 : i32
    %dma_wait3A_322 = tpu.memref_slice %arg6[%dma_wait3A_320, %dma_wait3A_321] : memref<512x64xf32, #tpu.memory_space<vmem>> -> memref<128x64xf32, #tpu.memory_space<vmem>>
    %dma_wait3A_323 = arith.constant 0 : i32
    %dma_wait3A_324 = tpu.memref_slice %arg5[%dma_wait3A_319, %dma_wait3A_323] : memref<16x128xi32, #tpu.memory_space<vmem>> -> memref<1x128xi32, #tpu.memory_space<vmem>>
    %dma_wait3A_325 = tpu.memref_squeeze %dma_wait3A_324 : memref<1x128xi32, #tpu.memory_space<vmem>> -> memref<128xi32, #tpu.memory_space<vmem>>
    %dma_wait3A_326 = arith.constant 0 : i32
    %dma_wait3A_327 = arith.constant 0 : i32
    %dma_wait3A_328 = tpu.memref_slice %arg2[%dma_wait3A_326, %dma_wait3A_327] : memref<512x64xf32, #tpu.memory_space<hbm>> -> memref<512x64xf32, #tpu.memory_space<hbm>>
    tpu.wait_indirect_dma semaphore(%arg9 : memref<!tpu.dma_semaphore, #tpu.memory_space<semaphore_mem>>) src(%dma_wait3A_328 : memref<512x64xf32, #tpu.memory_space<hbm>>) dst(%dma_wait3A_322 : memref<128x64xf32, #tpu.memory_space<vmem>>)
    %dma_wait3A_329 = arith.constant 14 : i32
    %dma_wait3A_330 = arith.constant 256 : i32
    %dma_wait3A_331 = arith.constant 0 : i32
    %dma_wait3A_332 = tpu.memref_slice %arg6[%dma_wait3A_330, %dma_wait3A_331] : memref<512x64xf32, #tpu.memory_space<vmem>> -> memref<128x64xf32, #tpu.memory_space<vmem>>
    %dma_wait3A_333 = arith.constant 0 : i32
    %dma_wait3A_334 = tpu.memref_slice %arg5[%dma_wait3A_329, %dma_wait3A_333] : memref<16x128xi32, #tpu.memory_space<vmem>> -> memref<1x128xi32, #tpu.memory_space<vmem>>
    %dma_wait3A_335 = tpu.memref_squeeze %dma_wait3A_334 : memref<1x128xi32, #tpu.memory_space<vmem>> -> memref<128xi32, #tpu.memory_space<vmem>>
    %dma_wait3A_336 = arith.constant 0 : i32
    %dma_wait3A_337 = arith.constant 0 : i32
    %dma_wait3A_338 = tpu.memref_slice %arg2[%dma_wait3A_336, %dma_wait3A_337] : memref<512x64xf32, #tpu.memory_space<hbm>> -> memref<512x64xf32, #tpu.memory_space<hbm>>
    tpu.wait_indirect_dma semaphore(%arg9 : memref<!tpu.dma_semaphore, #tpu.memory_space<semaphore_mem>>) src(%dma_wait3A_338 : memref<512x64xf32, #tpu.memory_space<hbm>>) dst(%dma_wait3A_332 : memref<128x64xf32, #tpu.memory_space<vmem>>)
    %dma_wait3A_339 = arith.constant 15 : i32
    %dma_wait3A_340 = arith.constant 384 : i32
    %dma_wait3A_341 = arith.constant 0 : i32
    %dma_wait3A_342 = tpu.memref_slice %arg6[%dma_wait3A_340, %dma_wait3A_341] : memref<512x64xf32, #tpu.memory_space<vmem>> -> memref<128x64xf32, #tpu.memory_space<vmem>>
    %dma_wait3A_343 = arith.constant 0 : i32
    %dma_wait3A_344 = tpu.memref_slice %arg5[%dma_wait3A_339, %dma_wait3A_343] : memref<16x128xi32, #tpu.memory_space<vmem>> -> memref<1x128xi32, #tpu.memory_space<vmem>>
    %dma_wait3A_345 = tpu.memref_squeeze %dma_wait3A_344 : memref<1x128xi32, #tpu.memory_space<vmem>> -> memref<128xi32, #tpu.memory_space<vmem>>
    %dma_wait3A_346 = arith.constant 0 : i32
    %dma_wait3A_347 = arith.constant 0 : i32
    %dma_wait3A_348 = tpu.memref_slice %arg2[%dma_wait3A_346, %dma_wait3A_347] : memref<512x64xf32, #tpu.memory_space<hbm>> -> memref<512x64xf32, #tpu.memory_space<hbm>>
    tpu.wait_indirect_dma semaphore(%arg9 : memref<!tpu.dma_semaphore, #tpu.memory_space<semaphore_mem>>) src(%dma_wait3A_348 : memref<512x64xf32, #tpu.memory_space<hbm>>) dst(%dma_wait3A_342 : memref<128x64xf32, #tpu.memory_space<vmem>>)
    %mul3A_349 = arith.constant 2048 : i32
    %mul3A_350 = arith.muli %add3A, %mul3A_349 : i32
    %add3A_351 = arith.constant 1536 : i32
    %add3A_352 = arith.addi %mul3A_350, %add3A_351 : i32
    %dma_start3A_353 = arith.constant 0 : i32
    %dma_start3A_354 = tpu.memref_slice %arg4[%add3A_352, %dma_start3A_353] : memref<65536x64xf32, #tpu.memory_space<hbm>> -> memref<512x64xf32, #tpu.memory_space<hbm>>
    %dma_start3A_355 = arith.constant 0 : i32
    %dma_start3A_356 = tpu.memref_slice %arg4[%add3A_352, %dma_start3A_355] : memref<65536x64xf32, #tpu.memory_space<hbm>> -> memref<512x64xf32, #tpu.memory_space<hbm>>
    tpu.enqueue_dma source(%arg6 : memref<512x64xf32, #tpu.memory_space<vmem>>) target(%dma_start3A_356 : memref<512x64xf32, #tpu.memory_space<hbm>>) target_semaphore(%arg12 : memref<!tpu.dma_semaphore, #tpu.memory_space<semaphore_mem>>)
    %dma_wait3A_357 = arith.constant 0 : i32
    %dma_wait3A_358 = tpu.memref_slice %arg4[%add3A_352, %dma_wait3A_357] : memref<65536x64xf32, #tpu.memory_space<hbm>> -> memref<512x64xf32, #tpu.memory_space<hbm>>
    %dma_wait3A_359 = arith.constant 0 : i32
    %dma_wait3A_360 = tpu.memref_slice %arg4[%add3A_352, %dma_wait3A_359] : memref<65536x64xf32, #tpu.memory_space<hbm>> -> memref<512x64xf32, #tpu.memory_space<hbm>>
    tpu.wait_dma2 semaphore(%arg12 : memref<!tpu.dma_semaphore, #tpu.memory_space<semaphore_mem>>) src(%arg6 : memref<512x64xf32, #tpu.memory_space<vmem>>) dst(%dma_wait3A_360 : memref<512x64xf32, #tpu.memory_space<hbm>>)
    %dma_wait3A_361 = arith.constant 0 : i32
    %dma_wait3A_362 = tpu.memref_slice %arg4[%add3A_256, %dma_wait3A_361] : memref<65536x64xf32, #tpu.memory_space<hbm>> -> memref<512x64xf32, #tpu.memory_space<hbm>>
    %dma_wait3A_363 = arith.constant 0 : i32
    %dma_wait3A_364 = tpu.memref_slice %arg4[%add3A_256, %dma_wait3A_363] : memref<65536x64xf32, #tpu.memory_space<hbm>> -> memref<512x64xf32, #tpu.memory_space<hbm>>
    tpu.wait_dma2 semaphore(%arg13 : memref<!tpu.dma_semaphore, #tpu.memory_space<semaphore_mem>>) src(%arg7 : memref<512x64xf32, #tpu.memory_space<vmem>>) dst(%dma_wait3A_364 : memref<512x64xf32, #tpu.memory_space<hbm>>)
    %dma_wait3A_365 = arith.constant 0 : i32
    %dma_wait3A_366 = tpu.memref_slice %arg4[%add3A_304, %dma_wait3A_365] : memref<65536x64xf32, #tpu.memory_space<hbm>> -> memref<512x64xf32, #tpu.memory_space<hbm>>
    %dma_wait3A_367 = arith.constant 0 : i32
    %dma_wait3A_368 = tpu.memref_slice %arg4[%add3A_304, %dma_wait3A_367] : memref<65536x64xf32, #tpu.memory_space<hbm>> -> memref<512x64xf32, #tpu.memory_space<hbm>>
    tpu.wait_dma2 semaphore(%arg14 : memref<!tpu.dma_semaphore, #tpu.memory_space<semaphore_mem>>) src(%arg8 : memref<512x64xf32, #tpu.memory_space<vmem>>) dst(%dma_wait3A_368 : memref<512x64xf32, #tpu.memory_space<hbm>>)
    return
  }
}

module attributes {stable_mosaic.version = 14 : i64} {
  func.func @_tc_body(%arg0: i32, %arg1: memref<2048x64xf32, #tpu.memory_space<vmem>>, %arg2: memref<512x64xf32, #tpu.memory_space<vmem>>, %arg3: memref<512x1xf32, #tpu.memory_space<vmem>>, %arg4: memref<512x1xf32, #tpu.memory_space<vmem>>, %arg5: memref<1x16x128xi32, #tpu.memory_space<vmem>>, %arg6: memref<1x1xf32, #tpu.memory_space<smem>>) attributes {dimension_semantics = [#tpu.dimension_semantics<arbitrary>], iteration_bounds = array<i64: 32>, scalar_prefetch = 0 : i64, scratch_operands = 0 : i64, tpu.core_type = #tpu.core_type<tc>, window_params = [{transform_indices = @transform_0, window_bounds = array<i64: 2048, 64>}, {pipeline_mode = #tpu.pipeline_mode<synchronous>, transform_indices = @transform_1, window_bounds = array<i64: 512, 64>}, {pipeline_mode = #tpu.pipeline_mode<synchronous>, transform_indices = @transform_2, window_bounds = array<i64: 512, 1>}, {pipeline_mode = #tpu.pipeline_mode<synchronous>, transform_indices = @transform_3, window_bounds = array<i64: 512, 1>}, {transform_indices = @transform_4, window_bounds = array<i64: 1, 16, 128>}, {transform_indices = @transform_5, window_bounds = array<i64: 1, 1>}]} {
    %get3A = arith.constant 0 : index
    %get3A_0 = arith.constant 0 : index
    %get3A_1 = vector.load %arg1[%get3A, %get3A_0] : memref<2048x64xf32, #tpu.memory_space<vmem>>, vector<2048x64xf32>
    %get3A_2 = arith.constant 0 : index
    %get3A_3 = arith.constant 0 : index
    %get3A_4 = vector.load %arg2[%get3A_2, %get3A_3] : memref<512x64xf32, #tpu.memory_space<vmem>>, vector<512x64xf32>
    %dot_general3A = arith.constant dense<0.000000e+00> : vector<512x2048xf32>
    %dot_general3A_5 = tpu.matmul %get3A_4, %get3A_1, %dot_general3A {dimension_numbers = #tpu.dot_dimension_numbers<[1], [1], [0], [0], [0, 0, 1, 0], [], []>, transpose_lhs_hint = false} : vector<512x64xf32>, vector<2048x64xf32>, vector<512x2048xf32> -> vector<512x2048xf32>
    %reduce_max3A = arith.constant dense<0xFF800000> : vector<2048xf32>
    %reduce_max3A_6 = vector.multi_reduction <maximumf>, %dot_general3A_5, %reduce_max3A [0] : vector<512x2048xf32> to vector<2048xf32>
    %broadcast_in_dim3A = vector.shape_cast %reduce_max3A_6 : vector<2048xf32> to vector<1x2048xf32>
    %eq3A = vector.broadcast %broadcast_in_dim3A : vector<1x2048xf32> to vector<512x2048xf32>
    %eq3A_7 = arith.cmpf oeq, %dot_general3A_5, %eq3A : vector<512x2048xf32>
    %get3A_8 = arith.constant 0 : index
    %get3A_9 = arith.constant 0 : index
    %get3A_10 = vector.load %arg4[%get3A_8, %get3A_9] : memref<512x1xf32, #tpu.memory_space<vmem>>, vector<512x1xf32>
    %jit3A = arith.constant 5.120000e+02 : f32
    %broadcast_in_dim3A_11 = vector.shape_cast %get3A_10 : vector<512x1xf32> to vector<512x1xf32>
    %broadcast_in_dim3A_12 = vector.broadcast %broadcast_in_dim3A_11 : vector<512x1xf32> to vector<512x2048xf32>
    %broadcast_in_dim3A_13 = vector.broadcast %jit3A : f32 to vector<512x2048xf32>
    %select_n3A = arith.select %eq3A_7, %broadcast_in_dim3A_12, %broadcast_in_dim3A_13 : vector<512x2048xi1>, vector<512x2048xf32>
    %reduce_min3A = arith.constant dense<0x7F800000> : vector<2048xf32>
    %reduce_min3A_14 = vector.multi_reduction <minimumf>, %select_n3A, %reduce_min3A [0] : vector<512x2048xf32> to vector<2048xf32>
    %broadcast_in_dim3A_15 = vector.shape_cast %reduce_min3A_14 : vector<2048xf32> to vector<1x2048xf32>
    %convert_element_type3A = arith.fptosi %broadcast_in_dim3A_15 : vector<1x2048xf32> to vector<1x2048xi32>
    %reshape3A = vector.shape_cast %convert_element_type3A : vector<1x2048xi32> to vector<1x16x128xi32>
    %swap3A = arith.constant 0 : index
    %swap3A_16 = arith.constant 0 : index
    %swap3A_17 = arith.constant 0 : index
    %swap3A_18 = vector.load %arg5[%swap3A, %swap3A_16, %swap3A_17] : memref<1x16x128xi32, #tpu.memory_space<vmem>>, vector<1x16x128xi32>
    tpu.vector_store %arg5[%swap3A, %swap3A_16, %swap3A_17], %reshape3A {strides = array<i32>} : memref<1x16x128xi32, #tpu.memory_space<vmem>>, vector<1x16x128xi32>,
    %get3A_19 = arith.constant 0 : index
    %get3A_20 = arith.constant 0 : index
    %get3A_21 = vector.load %arg3[%get3A_19, %get3A_20] : memref<512x1xf32, #tpu.memory_space<vmem>>, vector<512x1xf32>
    %jit3A_22 = arith.constant 0x7F800000 : f32
    %broadcast_in_dim3A_23 = vector.shape_cast %get3A_21 : vector<512x1xf32> to vector<512x1xf32>
    %broadcast_in_dim3A_24 = vector.broadcast %broadcast_in_dim3A_23 : vector<512x1xf32> to vector<512x2048xf32>
    %broadcast_in_dim3A_25 = vector.broadcast %jit3A_22 : f32 to vector<512x2048xf32>
    %select_n3A_26 = arith.select %eq3A_7, %broadcast_in_dim3A_24, %broadcast_in_dim3A_25 : vector<512x2048xi1>, vector<512x2048xf32>
    %reduce_min3A_27 = arith.constant dense<0x7F800000> : vector<2048xf32>
    %reduce_min3A_28 = vector.multi_reduction <minimumf>, %select_n3A_26, %reduce_min3A_27 [0] : vector<512x2048xf32> to vector<2048xf32>
    %reduce_sum3A = vector.shape_cast %reduce_min3A_28 : vector<2048xf32> to vector<1x2048xf32>
    %reduce_sum3A_29 = arith.constant dense<0.000000e+00> : vector<1xf32>
    %reduce_sum3A_30 = vector.multi_reduction <add>, %reduce_sum3A, %reduce_sum3A_29 [1] : vector<1x2048xf32> to vector<1xf32>
    %reduce_sum3A_31 = vector.shape_cast %reduce_sum3A_30 : vector<1xf32> to vector<1x1xf32>
    %reduce_sum3A_32 = vector.extract %reduce_sum3A_31[0, 0] : f32 from vector<1x1xf32>
    %reduce_sum3A_33 = vector.shape_cast %broadcast_in_dim3A : vector<1x2048xf32> to vector<1x1x2048xf32>
    %reduce_sum3A_34 = arith.constant dense<0.000000e+00> : vector<1xf32>
    %reduce_sum3A_35 = vector.multi_reduction <add>, %reduce_sum3A_33, %reduce_sum3A_34 [1, 2] : vector<1x1x2048xf32> to vector<1xf32>
    %reduce_sum3A_36 = vector.shape_cast %reduce_sum3A_35 : vector<1xf32> to vector<1x1x1xf32>
    %reduce_sum3A_37 = vector.extract %reduce_sum3A_36[0, 0, 0] : f32 from vector<1x1x1xf32>
    %mul3A = arith.constant 2.000000e+00 : f32
    %mul3A_38 = arith.mulf %mul3A, %reduce_sum3A_37 : f32
    %sub3A = arith.subf %reduce_sum3A_32, %mul3A_38 : f32
    %mul3A_39 = arith.mulf %get3A_1, %get3A_1 : vector<2048x64xf32>
    %reduce_sum3A_40 = vector.shape_cast %mul3A_39 : vector<2048x64xf32> to vector<1x2048x64xf32>
    %reduce_sum3A_41 = arith.constant dense<0.000000e+00> : vector<1xf32>
    %reduce_sum3A_42 = vector.multi_reduction <add>, %reduce_sum3A_40, %reduce_sum3A_41 [1, 2] : vector<1x2048x64xf32> to vector<1xf32>
    %reduce_sum3A_43 = vector.shape_cast %reduce_sum3A_42 : vector<1xf32> to vector<1x1x1xf32>
    %reduce_sum3A_44 = vector.extract %reduce_sum3A_43[0, 0, 0] : f32 from vector<1x1x1xf32>
    %add3A = arith.addf %sub3A, %reduce_sum3A_44 : f32
    %eq3A_45 = arith.constant 0 : i32
    %eq3A_46 = arith.cmpi eq, %arg0, %eq3A_45 : i32
    %get3A_47 = arith.constant 0 : index
    %get3A_48 = arith.constant 0 : index
    %get3A_49 = memref.load %arg6[%get3A_47, %get3A_48] : memref<1x1xf32, #tpu.memory_space<smem>>
    %add3A_50 = arith.addf %get3A_49, %add3A : f32
    %select_n3A_51 = arith.select %eq3A_46, %add3A, %add3A_50 : f32
    %swap3A_52 = arith.constant 0 : index
    %swap3A_53 = arith.constant 0 : index
    %swap3A_54 = memref.load %arg6[%swap3A_52, %swap3A_53] : memref<1x1xf32, #tpu.memory_space<smem>>
    memref.store %select_n3A_51, %arg6[%swap3A_52, %swap3A_53] : memref<1x1xf32, #tpu.memory_space<smem>>
    return
  }
  func.func @transform_0(%arg0: i32) -> (i32, i32) {
    %add3A = arith.constant 0 : i32
    %add3A_0 = arith.addi %add3A, %arg0 : i32
    %c0_i32 = arith.constant 0 : i32
    %c0_i32_1 = arith.constant 0 : i32
    return %add3A_0, %c0_i32 : i32, i32
  }
  func.func @transform_1(%arg0: i32) -> (i32, i32) {
    %c0_i32 = arith.constant 0 : i32
    %c0_i32_0 = arith.constant 0 : i32
    %c0_i32_1 = arith.constant 0 : i32
    return %c0_i32, %c0_i32_0 : i32, i32
  }
  func.func @transform_2(%arg0: i32) -> (i32, i32) {
    %c0_i32 = arith.constant 0 : i32
    %c0_i32_0 = arith.constant 0 : i32
    %c0_i32_1 = arith.constant 0 : i32
    return %c0_i32, %c0_i32_0 : i32, i32
  }
  func.func @transform_3(%arg0: i32) -> (i32, i32) {
    %c0_i32 = arith.constant 0 : i32
    %c0_i32_0 = arith.constant 0 : i32
    %c0_i32_1 = arith.constant 0 : i32
    return %c0_i32, %c0_i32_0 : i32, i32
  }
  func.func @transform_4(%arg0: i32) -> (i32, i32, i32) {
    %c0_i32 = arith.constant 0 : i32
    %c0_i32_0 = arith.constant 0 : i32
    %c0_i32_1 = arith.constant 0 : i32
    return %arg0, %c0_i32, %c0_i32_0 : i32, i32, i32
  }
  func.func @transform_5(%arg0: i32) -> (i32, i32) {
    %c0_i32 = arith.constant 0 : i32
    %c0_i32_0 = arith.constant 0 : i32
    %c0_i32_1 = arith.constant 0 : i32
    return %c0_i32, %c0_i32_0 : i32, i32
  }
}

</mosaic_0001>

<sc_bundles>
// kernel: kernel.4.cloned.1.call-start
scs
__scs_entry_jumppad:
0x0: {  	(pc) =	sbr.rel $0x88, $3  }
0x1: {  	(tag) =	ssettag $0x0;
	lr =	simm.s32 $0x1  }
0x2: {  	[smem:$0x3F9F] =	sst lr;
	_ =	strace $0xD0000000  }
0x3: {  	_ = 	snop  }
0x4: {  	_ = 	snop  }
0x5: {  	_ = 	snop  }
0x6: {  	_ = 	snop  }
0x7: {  	_ = 	snop  }
__scs_overlays_trampoline_lowered:
0x8: {  	[smem:$0x3FAE] =	sst s0  }
0x9: {  	[smem:$0x3FAF] =	sst s1  }
0xa: {  	[smem:$0x3FB0] =	sst s2  }
0xb: {  	[smem:$0x3FB1] =	sst s3  }
0xc: {  	[smem:$0x3FB2] =	sst s4  }
0xd: {  	[smem:$0x3FB3] =	sst s5  }
0xe: {  	[smem:$0x3FB4] =	sst s6  }
0xf: {  	[smem:$0x3FB5] =	sst s7  }
0x10: {  	[smem:$0x3FB6] =	sst s8  }
0x11: {  	[smem:$0x3FB7] =	sst s9;
	s0 =	simm.s32 @!p0 $0x0  }
0x12: {  	s1 =	sld [smem:$0x3F9D];
	s0 =	simm.s32 @p0 $0x1  }
0x13: {  	[smem:$0x3FB8] =	sst s0;
	s0 =	simm.s32 @!p1 $0x0  }
0x14: {  	s2 =	sld [smem:$0x3F9C];
	s0 =	simm.s32 @p1 $0x1  }
0x15: {  	[smem:$0x3FB9] =	sst s0;
	s0 =	simm.s32 @!p2 $0x0  }
0x16: {  	s3 =	sld [smem:$0x3FDB];
	s0 =	simm.s32 @p2 $0x1  }
0x17: {  	s4 =	simm.s32 $0x1BF5;
	[smem:$0x3FBB] =	sst s0  }
0x18: {  	s0 =	sld [smem:$0x3F9E];
	_ =	swait.ge [sflag:s4], $0x0  }
0x19: {  	s7 =	sld [smem:$0x3F9F]  }
0x1a: {  	s8 =	sadd.s32 $0xFFFFE003, lr  }
0x1b: {  	s9 =	sadd.s32 $0xFFFFFEF7, lr;
	s5 =	simm.s32 $0xFFFFFFFF;
	p2 =	slt.u32 s8, $0xFFFFF086  }
0x1c: {  	p1 =	slt.u32 s9, $0xF7A;
	s5 =	simm.s32 @!p2 $0x0  }
0x1d: {  	s5 =	simm.s32 @p1 $0x1;
	p0 =	seq.s32 s7, s2  }
0x1e: {  	s7 =	smul.u32 @!p0 $0xF7A, s2;
	p2 =	seq.s32 @!p0 s5, $0x0  }
0x1f: {  	s9 =	smul.u32 $0xF7A, s1;
	s8 =	simm.s32 @!p0 $0x1BF5;
	p2 =	por !p2, p0  }
0x20: {  	[sflag:s8] =	ssyncset.s32 @!p0 $0xFFFFF086;
	s6 =	sadd.s32 @!p0 s3, s7;
	s7 =	simm.s32 @!p0 $0x108  }
0x21: {  	s3 =	sadd.s32 s3, s9;
	s6 =	sadd.s32 @!p0 $0x88, s6;
	s7 =	simm.s32 @p2 $0x1082  }
0x22: {  	[simem:s7], [sflag:s8] =	dma.local @!p0 [hbm:s6], $0xF7A  }
0x23: {  	s9 =	sor.u32 $0xD0000000, s2;
	s6 =	simm.s32 $0x108;
	_ =	swait.ge @!p0 [sflag:s8], $0x0  }
0x24: {  	s3 =	sadd.s32 $0x88, s3;
	s6 =	simm.s32 @!p1 $0x1082;
	[sflag:s4] =	ssyncset.s32 $0xFFFFF086  }
0x25: {  	[simem:s6], [sflag:s4] =	dma.local [hbm:s3], $0xF7A  }
0x26: {  	[smem:$0x3F9F] =	sst s1;
	(tag) =	ssettag s2;
	_ =	strace s9  }
0x27: {  	s1 =	sld [smem:$0x3FAF]  }
0x28: {  	s2 =	sld [smem:$0x3FB0]  }
0x29: {  	s4 =	sld [smem:$0x3FB2]  }
0x2a: {  	p0 =	seq.s32 s5, $0x0;
	s5 =	sld [smem:$0x3FB3]  }
0x2b: {  	s6 =	sld [smem:$0x3FB4]  }
0x2c: {  	s7 =	sld [smem:$0x3FB5]  }
0x2d: {  	s3 =	simm.s32 $0x108;
	s8 =	sld [smem:$0x3FB6]  }
0x2e: {  	s3 =	simm.s32 @!p0 $0x1082;
	s9 =	sld [smem:$0x3FB7]  }
0x2f: {  	lr =	sadd.s32 s0, s3;
	s0 =	sld [smem:$0x3FAE]  }
0x30: {  	s3 =	sld [smem:$0x3FB1]  }
0x31: {  	[smem:$0x3FBA] =	sst s10  }
0x32: {  	s10 =	sld [smem:$0x3FB8];
	_ =	sdelay $0x3  }
0x33: {  	p0 =	seq.s32 s10, $0x1;
	s10 =	sld [smem:$0x3FBA];
	_ =	sdelay $0x3  }
0x34: {  	[smem:$0x3FBA] =	sst s10  }
0x35: {  	s10 =	sld [smem:$0x3FB9];
	_ =	sdelay $0x3  }
0x36: {  	p1 =	seq.s32 s10, $0x1;
	s10 =	sld [smem:$0x3FBA];
	_ =	sdelay $0x3  }
0x37: {  	[smem:$0x3FBA] =	sst s10  }
0x38: {  	s10 =	sld [smem:$0x3FBB]  }
0x39: {  	_ = 	snop;
	(pc) =	sbr.ind lr, $3  }
0x3a: {  	_ = 	snop  }
0x3b: {  	_ = 	snop  }
0x3c: {  	p2 =	seq.s32 s10, $0x1;
	s10 =	sld [smem:$0x3FBA]  }
0x3d: {  	_ =	shalt  }
0x3e: {  	_ =	shalt  }
0x3f: {  	_ =	shalt  }
0x40: {  	_ =	shalt  }
0x41: {  	_ =	shalt  }
0x42: {  	_ =	shalt  }
0x43: {  	_ =	shalt  }
0x44: {  	_ =	shalt  }
0x45: {  	_ =	shalt  }
0x46: {  	_ =	shalt  }
0x47: {  	_ =	shalt  }
0x48: {  	_ =	shalt  }
0x49: {  	_ =	shalt  }
0x4a: {  	_ =	shalt  }
0x4b: {  	_ =	shalt  }
0x4c: {  	_ =	shalt  }
0x4d: {  	_ =	shalt  }
0x4e: {  	_ =	shalt  }
0x4f: {  	_ =	shalt  }
0x50: {  	_ =	shalt  }
0x51: {  	_ =	shalt  }
0x52: {  	_ =	shalt  }
0x53: {  	_ =	shalt  }
0x54: {  	_ =	shalt  }
0x55: {  	_ =	shalt  }
0x56: {  	_ =	shalt  }
0x57: {  	_ =	shalt  }
0x58: {  	_ =	shalt  }
0x59: {  	_ =	shalt  }
0x5a: {  	_ =	shalt  }
0x5b: {  	_ =	shalt  }
0x5c: {  	_ =	shalt  }
0x5d: {  	_ =	shalt  }
0x5e: {  	_ =	shalt  }
0x5f: {  	_ =	shalt  }
0x60: {  	_ =	shalt  }
0x61: {  	_ =	shalt  }
0x62: {  	_ =	shalt  }
0x63: {  	_ =	shalt  }
0x64: {  	_ =	shalt  }
0x65: {  	_ =	shalt  }
0x66: {  	_ =	shalt  }
0x67: {  	_ =	shalt  }
0x68: {  	_ =	shalt  }
0x69: {  	_ =	shalt  }
0x6a: {  	_ =	shalt  }
0x6b: {  	_ =	shalt  }
0x6c: {  	_ =	shalt  }
0x6d: {  	_ =	shalt  }
0x6e: {  	_ =	shalt  }
0x6f: {  	_ =	shalt  }
0x70: {  	_ =	shalt  }
0x71: {  	_ =	shalt  }
0x72: {  	_ =	shalt  }
0x73: {  	_ =	shalt  }
0x74: {  	_ =	shalt  }
0x75: {  	_ =	shalt  }
0x76: {  	_ =	shalt  }
0x77: {  	_ =	shalt  }
0x78: {  	_ =	shalt  }
0x79: {  	_ =	shalt  }
0x7a: {  	_ =	shalt  }
0x7b: {  	_ =	shalt  }
0x7c: {  	_ =	shalt  }
0x7d: {  	_ =	shalt  }
0x7e: {  	_ =	shalt  }
0x7f: {  	_ =	shalt  }
0x80: {  	_ =	shalt  }
0x81: {  	_ =	shalt  }
0x82: {  	_ =	shalt  }
0x83: {  	_ =	shalt  }
0x84: {  	_ =	shalt  }
0x85: {  	_ =	shalt  }
0x86: {  	_ =	shalt  }
0x87: {  	_ =	shalt  }
.Lfunc_end0:
.L_simem_size_0:
called_computation_lowered:
.L_overlay_start_0:
0x88: {  	s2 =	sld [smem:$0x3FD9]  }
0x89: {  	s3 =	sld [smem:$0x3FFE];
	_ =	sdelay $0x1  }
0x8a: {  	s1 =	srdreg.scid  }
0x8b: {  	s0 =	sand.u32 $0x1, s1  }
0x8c: {  	s14 =	sshll.u32 s0, $0xA;
	s2 =	sadd.s32 s3, s2  }
0x8d: {  	s2 =	sadd.s32 s2, s14  }
0x8e: {  	[smem:$0x3FC6] =	sst s2  }
0x8f: {  	_ = 	snop  }
0x90: {  	s2 =	sld [smem:$0x3FD0];
	_ =	sdelay $0x2  }
0x91: {  	s15 =	simm.s32 $0xA;
	s4 =	simm.s32 $0x10  }
0x92: {  	[smem:s4], [sflag:s15] =	dma.local [hbm:s2], $0x1  }
0x93: {  	_ =	swait.eq [sflag:s15], $0x1  }
0x94: {  	[sflag:s15] =	ssyncset.done $0x0  }
0x95: {  	s16 =	sld [smem:$0x10];
	[sflag:s15] =	ssyncadd.s32 $0xFFFFFFFF  }
0x96: {  	s17 =	sld [smem:$0x13];
	(tm) =	ssettm $0x1  }
0x97: {  	s18 =	sld [smem:$0x3FFB];
	_ =	sdelay $0x3  }
0x98: {  	_ =	strace s18  }
0x99: {  	s4 =	sld [smem:$0x3FFC];
	_ =	sdelay $0x3  }
0x9a: {  	_ =	strace s4  }
0x9b: {  	s4 =	sld [smem:$0x3FFD];
	_ =	sdelay $0x3  }
0x9c: {  	_ =	strace s4  }
0x9d: {  	_ =	strace $0x8FFFFFFF  }
0x9e: {  	s19 =	sld [smem:$0x3FDB];
	_ =	sdelay $0x1  }
0x9f: {  	s5 =	simm.s32 $_scs_section_size  }
0xa0: {  	s6 =	simm.s32 $_size__tile_overlayer_lowered;
	s7 =	simm.s32 $_tile_overlayer_lowered  }
0xa1: {  	s22 =	simm.s32 $0x1BFF;
	s21 =	sshll.u32 s7, $0x1;
	s4 =	sadd.s32 s5, s19  }
0xa2: {  	s8 =	simm.s32 $0x0;
	s20 =	sshll.u32 s6, $0x1;
	s6 =	sadd.s32 s21, s4  }
0xa3: {  	[timem:s8], [sflag:s22] =	dma.local [hbm:s6], s20  }
0xa4: {  	_ =	swait.ge [sflag:s22], s20  }
0xa5: {  	s5 =	ssub.s32 $0x0, s20;
	[sflag:s22] =	ssyncset.done $0x0  }
0xa6: {  	[sflag:s22] =	ssyncadd.s32 s5;
	_ =	sdelay $0x1  }
0xa7: {  	s23 =	simm.s32 $0x1B8B  }
0xa8: {  	_ =	swait.ge [sflag:s23], $0x1  }
0xa9: {  	[sflag:s23] =	ssyncset.done $0x0  }
0xaa: {  	s25 =	simm.s32 $0x1B8E;
	s24 =	sld [smem:$0x3FFE];
	[sflag:s23] =	ssyncadd.s32 $0xFFFFFFFF  }
0xab: {  	s26 =	simm.s32 $execute0_lowered;
	[smem:$0x3FD2] =	sst s25  }
0xac: {  	s6 =	sshll.u32 s26, $0x1;
	_ =	strace $0x80000046;
	[dreg:$0x1] =	wrdreg $0xFFFFFFFF  }
0xad: {  	s28 =	simm.s32 $_size_execute0_lowered;
	s4 =	sadd.s32 s4, s6;
	[dreg:$0x0] =	wrdreg $0x0  }
0xae: {  	s6 =	sshll.u32 s28, $0x1;
	[dreg:$0x2] =	wrdreg s4  }
0xaf: {  	[dreg:$0x3] =	wrdreg s6  }
0xb0: {  	[dreg:$0x4] =	wrdreg $0xC0  }
0xb1: {  	_ =	task [dreg:s8], $0x5FFFF  }
0xb2: {  	[dreg:$0x1] =	wrdreg $0xFFFFFFFF  }
0xb3: {  	[dreg:$0x0] =	wrdreg $0x60  }
0xb4: {  	[dreg:$0x2] =	wrdreg s24  }
0xb5: {  	[dreg:$0x3] =	wrdreg s17  }
0xb6: {  	[dreg:$0x4] =	wrdreg s16  }
0xb7: {  	[dreg:$0x5] =	wrdreg $0x9  }
0xb8: {  	_ =	task.clear_ibuf [dreg:s8], $0x6FFFF;
	_ =	strace $0x90000046  }
0xb9: {  	s29 =	simm.s32 $0x9;
	_ =	strace $0x80000048  }
0xba: {  	_ =	swait.ge [sflag:s29], $0x1  }
0xbb: {  	[sflag:s29] =	ssyncadd.s32 $0xFFFFFFFF  }
0xbc: {  	_ =	strace $0x90000048  }
0xbd: {  	_ =	sfence  }
0xbe: {  	s30 =	sld [smem:$0x0];
	_ =	sdelay $0x2  }
0xbf: {  	s31 =	sshll.u32 s1, $0xD;
	s1 =	sshrl.u32 s1, $0x2  }
0xc0: {  	s3 =	sand.u32 $0x4000, s31;
	s1 =	sadd.s32 s1, s30  }
0xc1: {  	s0 =	sor.u32 s3, s0;
	s1 =	sshll.u32 s1, $0x11  }
0xc2: {  	s0 =	sor.u32 s1, s0  }
0xc3: {  	s0 =	sadd.s32 $0x8F2B, s0  }
0xc4: {  	[sflag:s0] =	ssyncadd.remote.s32 $0x1  }
0xc5: {  	_ =	sfence.sel $0xFFFF  }
0xc6: {  	[dreg:$0x0] =	wrdreg $0xFFFFFFFF;
	(pc) =	sbr.abs _section_cstart, $3  }
0xc7: {  	[dreg:$0x1] =	wrdreg $0xFFFFFFFF  }
0xc8: {  	_ =	task.clear_ibuf [dreg:s8], $0x2FFFF;
	_ =	strace $0x9FFFFFFF  }
0xc9: {  	(tm) =	ssettm $0x7FFFFFFF  }
tec
execute0_lowered:
.L_overlay_start_1:
0x0: {  	(tag) =	ssettag $0x1  }
0x1: {  	s0 =	rddreg [dreg:$0x0]  }
0x2: {  	s1 =	rddreg [dreg:$0x1]  }
0x3: {  	s3 =	rddreg [dreg:$0x2]  }
0x4: {  	s20 =	rddreg [dreg:$0x3]  }
0x5: {  	s4 =	srdreg.scid;
	s6 =	stileid.u32  }
0x6: {  	s2 =	simm.s32 $0x0;
	s17 =	simm.s32 $0x100;
	s22 =	simm.s32 $0x7  }
0x7: {  	s18 =	simm.s32 $0x180;
	s19 =	simm.s32 $0x200;
	s21 =	simm.s32 $0x280  }
0x8: {  	s23 =	simm.s32 $0xA800;
	s24 =	simm.s32 $0x300;
	[smem:$0x7FF] =	sst s2  }
0x9: {  	s16 =	simm.s32 $0x6800;
	_ =	strace $0x80000047;
	[dreg:$0x8] =	wrdreg s17  }
0xa: {  	s25 =	simm.s32 $0xC800;
	s26 =	simm.s32 $0x380;
	[dreg:$0x9] =	wrdreg s18  }
0xb: {  	s28 =	simm.s32 $0x12800;
	s29 =	simm.s32 $0x500;
	[dreg:$0xa] =	wrdreg s19  }
0xc: {  	s30 =	simm.s32 $0x14800;
	s31 =	simm.s32 $0x580;
	[dreg:$0xb] =	wrdreg s21  }
0xd: {  	p0 =	por $0x0, $0x0;
	s5 =	sand.u32 $0x1, s4;
	[dreg:$0xc] =	wrdreg s23  }
0xe: {  	s7 =	sshll.u32 s6, $0x1;
	s6 =	simm.s32 $0x1;
	[dreg:$0xd] =	wrdreg s24  }
0xf: {  	s4 =	sor.u32 s5, s7;
	s10 =	ssub.s32 $0x2, s5;
	[dreg:$0xe] =	wrdreg s25  }
0x10: {  	[dreg:$0xf] =	wrdreg s26;
	s25 =	simm.s32 $0x400;
	s26 =	simm.s32 $0x480  }
0x11: {  	s24 =	simm.s32 $0x16800;
	s5 =	simm.s32 $0x4;
	s21 =	simm.s32 $0x700  }
0x12: {  	s23 =	simm.s32 $0x780;
	s17 =	simm.s32 $0x2;
	s8 =	sshll.u32 s4, $0x8  }
0x13: {  	s7 =	sshll.u32 s4, $0xE;
	s4 =	sadd.s32 $0x100200, s0;
	s12 =	sshrl.u32 s10, $0x1  }
0x14: {  	s9 =	sadd.s32 s1, s8;
	s8 =	sadd.s32 s3, s7;
	s1 =	ssub.s32 s10, s12  }
0x15: {  	s3 =	simm.s32 $0x800;
	s12 =	simm.s32 $0x8800;
	s15 =	smax.u32 s1, $0x1  }
0x16: {  	[dreg:$0x4] =	wrdreg s9;
	s11 =	sadd.s32 $0x1000, s8;
	p1 =	sne.s32 s15, $0x1  }
.Ltmp0:
0x17: {  	s13 =	sadd.s32 $0x2000, s8;
	[dreg:$0x5] =	wrdreg s11;
	(pc) =	sbr.rel @!p1 .LBB2_1-.Ltmp0, $4  }
0x18: {  	s10 =	simm.s32 $0x10800;
	s14 =	sadd.s32 $0x3000, s8;
	[dreg:$0x6] =	wrdreg s13  }
0x19: {  	s7 =	simm.s32 $0x6;
	s9 =	simm.s32 $0x5;
	[dreg:$0x7] =	wrdreg s14  }
0x1a: {  	s11 =	simm.s32 $0x80;
	s13 =	simm.s32 $0x2800;
	s14 =	simm.s32 $0x4800  }
0x1b: {  	s0 =	sadd.s32 $0xFFFFFFFF, s15;
	s15 =	simm.s32 $0x3;
	s1 =	rddreg [dreg:$0x4]  }
0x1c: {  	[tilespmem:s2], [sflag:$0x7] =	stream.linear.gather [hbm4b:s1+s2], $0x800, $0x38;
	[tilespmem:$0x18800] =	vst v63  }
0x1d: {  	_ =	swait.ge [sflag:s22], $0x800  }
0x1e: {  	s20 =	rddreg [dreg:$0xe]  }
0x1f: {  	[sflag:s22] =	ssyncset.done $0x0;
	s18 =	rddreg [dreg:$0xc]  }
0x20: {  	s1 =	rddreg [dreg:$0x8];
	[sflag:s22] =	ssyncadd.s32 $0xFFFFF800  }
0x21: {  	[tilespmem:s3], [sflag:$0x1] =	stream.indirect.gather [hbm4b:s4+s11], $0x40, s2, s11, $0xb8;
	[tilespmem:$0x18800] =	vst v63  }
0x22: {  	s19 =	rddreg [dreg:$0x9]  }
0x23: {  	[tilespmem:s13], [sflag:$0x1] =	stream.indirect.gather [hbm4b:s4+s11], $0x40, s11, s11, $0xb8;
	[tilespmem:$0x18800] =	vst v63  }
0x24: {  	[dreg:$0x10] =	wrdreg s20  }
0x25: {  	[tilespmem:s14], [sflag:$0x1] =	stream.indirect.gather [hbm4b:s4+s11], $0x40, s1, s11, $0xb8;
	[tilespmem:$0x18800] =	vst v63  }
0x26: {  	s20 =	smov.u32 s0;
	s0 =	rddreg [dreg:$0xa]  }
0x27: {  	[tilespmem:s16], [sflag:$0x1] =	stream.indirect.gather [hbm4b:s4+s11], $0x40, s19, s11, $0xb8;
	[tilespmem:$0x18800] =	vst v63  }
0x28: {  	s19 =	rddreg [dreg:$0xb]  }
0x29: {  	[tilespmem:s12], [sflag:$0x2] =	stream.indirect.gather [hbm4b:s4+s11], $0x40, s0, s11, $0xb8;
	[tilespmem:$0x18800] =	vst v63  }
0x2a: {  	s0 =	rddreg [dreg:$0xd]  }
0x2b: {  	[tilespmem:s18], [sflag:$0x2] =	stream.indirect.gather [hbm4b:s4+s11], $0x40, s19, s11, $0xb8;
	[tilespmem:$0x18800] =	vst v63  }
0x2c: {  	s18 =	rddreg [dreg:$0x10]  }
0x2d: {  	[tilespmem:s18], [sflag:$0x2] =	stream.indirect.gather [hbm4b:s4+s11], $0x40, s0, s11, $0xb8;
	[tilespmem:$0x18800] =	vst v63  }
0x2e: {  	s1 =	rddreg [dreg:$0xf];
	s18 =	simm.s32 $0xE800  }
0x2f: {  	[tilespmem:s18], [sflag:$0x2] =	stream.indirect.gather [hbm4b:s4+s11], $0x40, s1, s11, $0xb8;
	[tilespmem:$0x18800] =	vst v63  }
0x30: {  	_ = 	snop  }
0x31: {  	[tilespmem:s10], [sflag:$0x3] =	stream.indirect.gather [hbm4b:s4+s11], $0x40, s25, s11, $0xb8;
	[tilespmem:$0x18800] =	vst v63  }
0x32: {  	_ = 	snop  }
0x33: {  	[tilespmem:s28], [sflag:$0x3] =	stream.indirect.gather [hbm4b:s4+s11], $0x40, s26, s11, $0xb8;
	[tilespmem:$0x18800] =	vst v63  }
0x34: {  	_ = 	snop  }
0x35: {  	[tilespmem:s30], [sflag:$0x3] =	stream.indirect.gather [hbm4b:s4+s11], $0x40, s29, s11, $0xb8;
	[tilespmem:$0x18800] =	vst v63  }
0x36: {  	_ = 	snop  }
0x37: {  	[tilespmem:s24], [sflag:$0x3] =	stream.indirect.gather [hbm4b:s4+s11], $0x40, s31, s11, $0xb8;
	[tilespmem:$0x18800] =	vst v63  }
0x38: {  	_ =	swait.ge [sflag:s6], $0x2000  }
0x39: {  	[sflag:s6] =	ssyncset.done $0x0  }
0x3a: {  	[sflag:s6] =	ssyncadd.s32 $0xFFFFE000  }
0x3b: {  	_ =	swait.ge [sflag:s6], $0x2000  }
0x3c: {  	[sflag:s6] =	ssyncset.done $0x0  }
0x3d: {  	[sflag:s6] =	ssyncadd.s32 $0xFFFFE000  }
0x3e: {  	_ =	swait.ge [sflag:s6], $0x2000  }
0x3f: {  	[sflag:s6] =	ssyncset.done $0x0  }
0x40: {  	[sflag:s6] =	ssyncadd.s32 $0xFFFFE000  }
0x41: {  	_ =	swait.ge [sflag:s6], $0x2000  }
0x42: {  	[sflag:s6] =	ssyncset.done $0x0  }
0x43: {  	[sflag:s6] =	ssyncadd.s32 $0xFFFFE000  }
0x44: {  	[hbm4b:s8+s2] =	stream.linear.scatter [tilespmem:s3], [sflag:$0x4], $0x8000, $0x38;
	[tilespmem:$0x18800] =	vst v63  }
0x45: {  	_ =	swait.ge [sflag:s5], $0x8000  }
0x46: {  	[sflag:s5] =	ssyncset.done $0x0  }
0x47: {  	s19 =	simm.s32 $0x600;
	[sflag:s5] =	ssyncadd.s32 $0xFFFF8000  }
0x48: {  	[tilespmem:s3], [sflag:$0x1] =	stream.indirect.gather [hbm4b:s4+s11], $0x40, s19, s11, $0xb8;
	[tilespmem:$0x18800] =	vst v63  }
0x49: {  	s19 =	simm.s32 $0x680  }
0x4a: {  	[tilespmem:s13], [sflag:$0x1] =	stream.indirect.gather [hbm4b:s4+s11], $0x40, s19, s11, $0xb8;
	[tilespmem:$0x18800] =	vst v63  }
0x4b: {  	_ = 	snop  }
0x4c: {  	[tilespmem:s14], [sflag:$0x1] =	stream.indirect.gather [hbm4b:s4+s11], $0x40, s21, s11, $0xb8;
	[tilespmem:$0x18800] =	vst v63  }
0x4d: {  	_ = 	snop  }
0x4e: {  	[tilespmem:s16], [sflag:$0x1] =	stream.indirect.gather [hbm4b:s4+s11], $0x40, s23, s11, $0xb8;
	[tilespmem:$0x18800] =	vst v63  }
0x4f: {  	_ =	swait.ge [sflag:s17], $0x2000  }
0x50: {  	[sflag:s17] =	ssyncset.done $0x0  }
0x51: {  	[sflag:s17] =	ssyncadd.s32 $0xFFFFE000  }
0x52: {  	_ =	swait.ge [sflag:s17], $0x2000  }
0x53: {  	[sflag:s17] =	ssyncset.done $0x0  }
0x54: {  	[sflag:s17] =	ssyncadd.s32 $0xFFFFE000  }
0x55: {  	_ =	swait.ge [sflag:s17], $0x2000  }
0x56: {  	[sflag:s17] =	ssyncset.done $0x0  }
0x57: {  	[sflag:s17] =	ssyncadd.s32 $0xFFFFE000  }
0x58: {  	_ =	swait.ge [sflag:s17], $0x2000  }
0x59: {  	[sflag:s17] =	ssyncset.done $0x0  }
0x5a: {  	s1 =	rddreg [dreg:$0x5];
	[sflag:s17] =	ssyncadd.s32 $0xFFFFE000  }
0x5b: {  	[hbm4b:s1+s2] =	stream.linear.scatter [tilespmem:s12], [sflag:$0x5], $0x8000, $0x38;
	[tilespmem:$0x18800] =	vst v63  }
0x5c: {  	_ =	swait.ge [sflag:s15], $0x2000  }
0x5d: {  	[sflag:s15] =	ssyncset.done $0x0  }
0x5e: {  	[sflag:s15] =	ssyncadd.s32 $0xFFFFE000  }
0x5f: {  	_ =	swait.ge [sflag:s15], $0x2000  }
0x60: {  	[sflag:s15] =	ssyncset.done $0x0  }
0x61: {  	[sflag:s15] =	ssyncadd.s32 $0xFFFFE000  }
0x62: {  	_ =	swait.ge [sflag:s15], $0x2000  }
0x63: {  	[sflag:s15] =	ssyncset.done $0x0  }
0x64: {  	[sflag:s15] =	ssyncadd.s32 $0xFFFFE000  }
0x65: {  	_ =	swait.ge [sflag:s15], $0x2000  }
0x66: {  	[sflag:s15] =	ssyncset.done $0x0  }
0x67: {  	s18 =	rddreg [dreg:$0x6];
	[sflag:s15] =	ssyncadd.s32 $0xFFFFE000  }
0x68: {  	[hbm4b:s18+s2] =	stream.linear.scatter [tilespmem:s10], [sflag:$0x6], $0x8000, $0x38;
	[tilespmem:$0x18800] =	vst v63  }
0x69: {  	_ =	swait.ge [sflag:s6], $0x2000  }
0x6a: {  	[sflag:s6] =	ssyncset.done $0x0  }
0x6b: {  	[sflag:s6] =	ssyncadd.s32 $0xFFFFE000  }
0x6c: {  	_ =	swait.ge [sflag:s6], $0x2000  }
0x6d: {  	[sflag:s6] =	ssyncset.done $0x0  }
0x6e: {  	[sflag:s6] =	ssyncadd.s32 $0xFFFFE000  }
0x6f: {  	_ =	swait.ge [sflag:s6], $0x2000  }
0x70: {  	[sflag:s6] =	ssyncset.done $0x0  }
0x71: {  	[sflag:s6] =	ssyncadd.s32 $0xFFFFE000  }
0x72: {  	_ =	swait.ge [sflag:s6], $0x2000  }
0x73: {  	[sflag:s6] =	ssyncset.done $0x0  }
0x74: {  	s19 =	rddreg [dreg:$0x7];
	[sflag:s6] =	ssyncadd.s32 $0xFFFFE000  }
0x75: {  	[hbm4b:s19+s2] =	stream.linear.scatter [tilespmem:s3], [sflag:$0x4], $0x8000, $0x38;
	[tilespmem:$0x18800] =	vst v63  }
0x76: {  	_ =	swait.ge [sflag:s5], $0x8000  }
0x77: {  	[sflag:s5] =	ssyncset.done $0x0  }
0x78: {  	p1 =	sne.s32 s20, $0x1;
	[sflag:s5] =	ssyncadd.s32 $0xFFFF8000  }
.Ltmp1:
0x79: {  	_ =	swait.ge [sflag:s9], $0x8000;
	(pc) =	sbr.rel @!p1 .LBB2_3-.Ltmp1, $4  }
0x7a: {  	[sflag:s9] =	ssyncset.done $0x0  }
0x7b: {  	[sflag:s9] =	ssyncadd.s32 $0xFFFF8000  }
0x7c: {  	p0 =	por $0x1, $0x1;
	_ =	swait.ge [sflag:s7], $0x8000  }
0x7d: {  	s0 =	sadd.s32 $0xFFFFFFFF, s20;
	s1 =	rddreg [dreg:$0x4];
	[sflag:s7] =	ssyncset.done $0x0  }
.LBB2_4:
0x7e: {  	[sflag:s7] =	ssyncadd.s32 $0xFFFF8000  }
0x7f: {  	[tilespmem:s2], [sflag:$0x7] =	stream.linear.gather [hbm4b:s1+s2], $0x800, $0x38;
	[tilespmem:$0x18800] =	vst v63  }
0x80: {  	_ =	swait.ge [sflag:s22], $0x800  }
0x81: {  	[sflag:s22] =	ssyncset.done $0x0  }
0x82: {  	s1 =	rddreg [dreg:$0xe];
	[sflag:s22] =	ssyncadd.s32 $0xFFFFF800  }
0x83: {  	[tilespmem:s3], [sflag:$0x1] =	stream.indirect.gather [hbm4b:s4+s11], $0x40, s2, s11, $0xb8;
	[tilespmem:$0x18800] =	vst v63  }
0x84: {  	s18 =	rddreg [dreg:$0xc]  }
0x85: {  	[tilespmem:s13], [sflag:$0x1] =	stream.indirect.gather [hbm4b:s4+s11], $0x40, s11, s11, $0xb8;
	[tilespmem:$0x18800] =	vst v63  }
0x86: {  	s19 =	rddreg [dreg:$0x8]  }
0x87: {  	[tilespmem:s14], [sflag:$0x1] =	stream.indirect.gather [hbm4b:s4+s11], $0x40, s19, s11, $0xb8;
	[tilespmem:$0x18800] =	vst v63  }
0x88: {  	s20 =	rddreg [dreg:$0x9]  }
0x89: {  	[tilespmem:s16], [sflag:$0x1] =	stream.indirect.gather [hbm4b:s4+s11], $0x40, s20, s11, $0xb8;
	[tilespmem:$0x18800] =	vst v63  }
0x8a: {  	s19 =	rddreg [dreg:$0xa]  }
0x8b: {  	[tilespmem:s12], [sflag:$0x2] =	stream.indirect.gather [hbm4b:s4+s11], $0x40, s19, s11, $0xb8;
	[tilespmem:$0x18800] =	vst v63  }
0x8c: {  	s20 =	rddreg [dreg:$0xb]  }
0x8d: {  	[tilespmem:s18], [sflag:$0x2] =	stream.indirect.gather [hbm4b:s4+s11], $0x40, s20, s11, $0xb8;
	[tilespmem:$0x18800] =	vst v63  }
0x8e: {  	s19 =	rddreg [dreg:$0xd]  }
0x8f: {  	[tilespmem:s1], [sflag:$0x2] =	stream.indirect.gather [hbm4b:s4+s11], $0x40, s19, s11, $0xb8;
	[tilespmem:$0x18800] =	vst v63  }
0x90: {  	s18 =	rddreg [dreg:$0xf];
	s20 =	simm.s32 $0xE800  }
0x91: {  	[tilespmem:s20], [sflag:$0x2] =	stream.indirect.gather [hbm4b:s4+s11], $0x40, s18, s11, $0xb8;
	[tilespmem:$0x18800] =	vst v63  }
0x92: {  	_ = 	snop  }
0x93: {  	[tilespmem:s10], [sflag:$0x3] =	stream.indirect.gather [hbm4b:s4+s11], $0x40, s25, s11, $0xb8;
	[tilespmem:$0x18800] =	vst v63  }
0x94: {  	_ = 	snop  }
0x95: {  	[tilespmem:s28], [sflag:$0x3] =	stream.indirect.gather [hbm4b:s4+s11], $0x40, s26, s11, $0xb8;
	[tilespmem:$0x18800] =	vst v63  }
0x96: {  	_ = 	snop  }
0x97: {  	[tilespmem:s30], [sflag:$0x3] =	stream.indirect.gather [hbm4b:s4+s11], $0x40, s29, s11, $0xb8;
	[tilespmem:$0x18800] =	vst v63  }
0x98: {  	_ = 	snop  }
0x99: {  	[tilespmem:s24], [sflag:$0x3] =	stream.indirect.gather [hbm4b:s4+s11], $0x40, s31, s11, $0xb8;
	[tilespmem:$0x18800] =	vst v63  }
0x9a: {  	_ =	swait.ge [sflag:s6], $0x2000  }
0x9b: {  	[sflag:s6] =	ssyncset.done $0x0  }
0x9c: {  	[sflag:s6] =	ssyncadd.s32 $0xFFFFE000  }
0x9d: {  	_ =	swait.ge [sflag:s6], $0x2000  }
0x9e: {  	[sflag:s6] =	ssyncset.done $0x0  }
0x9f: {  	[sflag:s6] =	ssyncadd.s32 $0xFFFFE000  }
0xa0: {  	_ =	swait.ge [sflag:s6], $0x2000  }
0xa1: {  	[sflag:s6] =	ssyncset.done $0x0  }
0xa2: {  	[sflag:s6] =	ssyncadd.s32 $0xFFFFE000  }
0xa3: {  	_ =	swait.ge [sflag:s6], $0x2000  }
0xa4: {  	[sflag:s6] =	ssyncset.done $0x0  }
0xa5: {  	[sflag:s6] =	ssyncadd.s32 $0xFFFFE000  }
0xa6: {  	[hbm4b:s8+s2] =	stream.linear.scatter [tilespmem:s3], [sflag:$0x4], $0x8000, $0x38;
	[tilespmem:$0x18800] =	vst v63  }
0xa7: {  	_ =	swait.ge [sflag:s5], $0x8000  }
0xa8: {  	[sflag:s5] =	ssyncset.done $0x0  }
0xa9: {  	s20 =	simm.s32 $0x600;
	[sflag:s5] =	ssyncadd.s32 $0xFFFF8000  }
0xaa: {  	[tilespmem:s3], [sflag:$0x1] =	stream.indirect.gather [hbm4b:s4+s11], $0x40, s20, s11, $0xb8;
	[tilespmem:$0x18800] =	vst v63  }
0xab: {  	s19 =	simm.s32 $0x680  }
0xac: {  	[tilespmem:s13], [sflag:$0x1] =	stream.indirect.gather [hbm4b:s4+s11], $0x40, s19, s11, $0xb8;
	[tilespmem:$0x18800] =	vst v63  }
0xad: {  	_ = 	snop  }
0xae: {  	[tilespmem:s14], [sflag:$0x1] =	stream.indirect.gather [hbm4b:s4+s11], $0x40, s21, s11, $0xb8;
	[tilespmem:$0x18800] =	vst v63  }
0xaf: {  	_ = 	snop  }
0xb0: {  	[tilespmem:s16], [sflag:$0x1] =	stream.indirect.gather [hbm4b:s4+s11], $0x40, s23, s11, $0xb8;
	[tilespmem:$0x18800] =	vst v63  }
0xb1: {  	_ =	swait.ge [sflag:s17], $0x2000  }
0xb2: {  	[sflag:s17] =	ssyncset.done $0x0  }
0xb3: {  	[sflag:s17] =	ssyncadd.s32 $0xFFFFE000  }
0xb4: {  	_ =	swait.ge [sflag:s17], $0x2000  }
0xb5: {  	[sflag:s17] =	ssyncset.done $0x0  }
0xb6: {  	[sflag:s17] =	ssyncadd.s32 $0xFFFFE000  }
0xb7: {  	_ =	swait.ge [sflag:s17], $0x2000  }
0xb8: {  	[sflag:s17] =	ssyncset.done $0x0  }
0xb9: {  	[sflag:s17] =	ssyncadd.s32 $0xFFFFE000  }
0xba: {  	_ =	swait.ge [sflag:s17], $0x2000  }
0xbb: {  	[sflag:s17] =	ssyncset.done $0x0  }
0xbc: {  	s18 =	rddreg [dreg:$0x5];
	[sflag:s17] =	ssyncadd.s32 $0xFFFFE000  }
0xbd: {  	[hbm4b:s18+s2] =	stream.linear.scatter [tilespmem:s12], [sflag:$0x5], $0x8000, $0x38;
	[tilespmem:$0x18800] =	vst v63  }
0xbe: {  	_ =	swait.ge [sflag:s15], $0x2000  }
0xbf: {  	[sflag:s15] =	ssyncset.done $0x0  }
0xc0: {  	[sflag:s15] =	ssyncadd.s32 $0xFFFFE000  }
0xc1: {  	_ =	swait.ge [sflag:s15], $0x2000  }
0xc2: {  	[sflag:s15] =	ssyncset.done $0x0  }
0xc3: {  	[sflag:s15] =	ssyncadd.s32 $0xFFFFE000  }
0xc4: {  	_ =	swait.ge [sflag:s15], $0x2000  }
0xc5: {  	[sflag:s15] =	ssyncset.done $0x0  }
0xc6: {  	[sflag:s15] =	ssyncadd.s32 $0xFFFFE000  }
0xc7: {  	_ =	swait.ge [sflag:s15], $0x2000  }
0xc8: {  	[sflag:s15] =	ssyncset.done $0x0  }
0xc9: {  	s19 =	rddreg [dreg:$0x6];
	[sflag:s15] =	ssyncadd.s32 $0xFFFFE000  }
0xca: {  	[hbm4b:s19+s2] =	stream.linear.scatter [tilespmem:s10], [sflag:$0x6], $0x8000, $0x38;
	[tilespmem:$0x18800] =	vst v63  }
0xcb: {  	_ =	swait.ge [sflag:s6], $0x2000  }
0xcc: {  	[sflag:s6] =	ssyncset.done $0x0  }
0xcd: {  	[sflag:s6] =	ssyncadd.s32 $0xFFFFE000  }
0xce: {  	_ =	swait.ge [sflag:s6], $0x2000  }
0xcf: {  	[sflag:s6] =	ssyncset.done $0x0  }
0xd0: {  	[sflag:s6] =	ssyncadd.s32 $0xFFFFE000  }
0xd1: {  	_ =	swait.ge [sflag:s6], $0x2000  }
0xd2: {  	[sflag:s6] =	ssyncset.done $0x0  }
0xd3: {  	[sflag:s6] =	ssyncadd.s32 $0xFFFFE000  }
0xd4: {  	_ =	swait.ge [sflag:s6], $0x2000  }
0xd5: {  	[sflag:s6] =	ssyncset.done $0x0  }
0xd6: {  	s20 =	rddreg [dreg:$0x7];
	[sflag:s6] =	ssyncadd.s32 $0xFFFFE000  }
0xd7: {  	[hbm4b:s20+s2] =	stream.linear.scatter [tilespmem:s3], [sflag:$0x4], $0x8000, $0x38;
	[tilespmem:$0x18800] =	vst v63  }
0xd8: {  	_ =	swait.ge [sflag:s5], $0x8000  }
0xd9: {  	[sflag:s5] =	ssyncset.done $0x0  }
0xda: {  	p1 =	sne.s32 s0, $0x1;
	[sflag:s5] =	ssyncadd.s32 $0xFFFF8000  }
.Ltmp2:
0xdb: {  	_ =	swait.ge [sflag:s9], $0x8000;
	(pc) =	sbr.rel @p1 .LBB2_4-.Ltmp2, $4  }
0xdc: {  	[sflag:s9] =	ssyncset.done $0x0  }
0xdd: {  	[sflag:s9] =	ssyncadd.s32 $0xFFFF8000  }
0xde: {  	_ =	swait.ge [sflag:s7], $0x8000  }
0xdf: {  	s0 =	sadd.s32 $0xFFFFFFFF, s0;
	s1 =	rddreg [dreg:$0x4];
	[sflag:s7] =	ssyncset.done $0x0  }
0xe0: {  	s23 =	simm.s32 $0x16800  }
0xe1: {  	s31 =	simm.s32 $0x580;
	s30 =	simm.s32 $0x14800;
	s29 =	simm.s32 $0x500  }
0xe2: {  	s28 =	simm.s32 $0x12800;
	s26 =	simm.s32 $0x480;
	s25 =	simm.s32 $0x400  }
0xe3: {  	s24 =	simm.s32 $0xE800;
	s21 =	simm.s32 $0x700;
	s20 =	rddreg [dreg:$0x3]  }
.LBB2_6:
0xe4: {  	[sflag:s7] =	ssyncadd.s32 @p0 $0xFFFF8000  }
0xe5: {  	[tilespmem:s2], [sflag:$0x7] =	stream.linear.gather [hbm4b:s1+s2], $0x800, $0x38;
	[tilespmem:$0x18800] =	vst v63  }
0xe6: {  	_ =	swait.ge [sflag:s22], $0x800  }
0xe7: {  	[sflag:s22] =	ssyncset.done $0x0  }
0xe8: {  	s0 =	rddreg [dreg:$0x8];
	[sflag:s22] =	ssyncadd.s32 $0xFFFFF800  }
0xe9: {  	[tilespmem:s3], [sflag:$0x1] =	stream.indirect.gather [hbm4b:s4+s11], $0x40, s2, s11, $0xb8;
	[tilespmem:$0x18800] =	vst v63  }
0xea: {  	s19 =	rddreg [dreg:$0x9]  }
0xeb: {  	[tilespmem:s13], [sflag:$0x1] =	stream.indirect.gather [hbm4b:s4+s11], $0x40, s11, s11, $0xb8;
	[tilespmem:$0x18800] =	vst v63  }
0xec: {  	s1 =	rddreg [dreg:$0xc]  }
0xed: {  	[tilespmem:s14], [sflag:$0x1] =	stream.indirect.gather [hbm4b:s4+s11], $0x40, s0, s11, $0xb8;
	[tilespmem:$0x18800] =	vst v63  }
0xee: {  	s18 =	rddreg [dreg:$0xe]  }
0xef: {  	[tilespmem:s16], [sflag:$0x1] =	stream.indirect.gather [hbm4b:s4+s11], $0x40, s19, s11, $0xb8;
	[tilespmem:$0x18800] =	vst v63  }
0xf0: {  	s22 =	rddreg [dreg:$0xa]  }
0xf1: {  	[tilespmem:s12], [sflag:$0x2] =	stream.indirect.gather [hbm4b:s4+s11], $0x40, s22, s11, $0xb8;
	[tilespmem:$0x18800] =	vst v63  }
0xf2: {  	s22 =	rddreg [dreg:$0xb]  }
0xf3: {  	[tilespmem:s1], [sflag:$0x2] =	stream.indirect.gather [hbm4b:s4+s11], $0x40, s22, s11, $0xb8;
	[tilespmem:$0x18800] =	vst v63  }
0xf4: {  	s19 =	rddreg [dreg:$0xd]  }
0xf5: {  	[tilespmem:s18], [sflag:$0x2] =	stream.indirect.gather [hbm4b:s4+s11], $0x40, s19, s11, $0xb8;
	[tilespmem:$0x18800] =	vst v63  }
0xf6: {  	s22 =	rddreg [dreg:$0xf]  }
0xf7: {  	[tilespmem:s24], [sflag:$0x2] =	stream.indirect.gather [hbm4b:s4+s11], $0x40, s22, s11, $0xb8;
	[tilespmem:$0x18800] =	vst v63  }
0xf8: {  	_ = 	snop  }
0xf9: {  	[tilespmem:s10], [sflag:$0x3] =	stream.indirect.gather [hbm4b:s4+s11], $0x40, s25, s11, $0xb8;
	[tilespmem:$0x18800] =	vst v63  }
0xfa: {  	_ = 	snop  }
0xfb: {  	[tilespmem:s28], [sflag:$0x3] =	stream.indirect.gather [hbm4b:s4+s11], $0x40, s26, s11, $0xb8;
	[tilespmem:$0x18800] =	vst v63  }
0xfc: {  	_ = 	snop  }
0xfd: {  	[tilespmem:s30], [sflag:$0x3] =	stream.indirect.gather [hbm4b:s4+s11], $0x40, s29, s11, $0xb8;
	[tilespmem:$0x18800] =	vst v63  }
0xfe: {  	_ = 	snop  }
0xff: {  	[tilespmem:s23], [sflag:$0x3] =	stream.indirect.gather [hbm4b:s4+s11], $0x40, s31, s11, $0xb8;
	[tilespmem:$0x18800] =	vst v63  }
0x100: {  	_ =	swait.ge [sflag:s6], $0x2000  }
0x101: {  	[sflag:s6] =	ssyncset.done $0x0  }
0x102: {  	[sflag:s6] =	ssyncadd.s32 $0xFFFFE000  }
0x103: {  	_ =	swait.ge [sflag:s6], $0x2000  }
0x104: {  	[sflag:s6] =	ssyncset.done $0x0  }
0x105: {  	[sflag:s6] =	ssyncadd.s32 $0xFFFFE000  }
0x106: {  	_ =	swait.ge [sflag:s6], $0x2000  }
0x107: {  	[sflag:s6] =	ssyncset.done $0x0  }
0x108: {  	[sflag:s6] =	ssyncadd.s32 $0xFFFFE000  }
0x109: {  	_ =	swait.ge [sflag:s6], $0x2000  }
0x10a: {  	[sflag:s6] =	ssyncset.done $0x0  }
0x10b: {  	[sflag:s6] =	ssyncadd.s32 $0xFFFFE000  }
0x10c: {  	[hbm4b:s8+s2] =	stream.linear.scatter [tilespmem:s3], [sflag:$0x4], $0x8000, $0x38;
	[tilespmem:$0x18800] =	vst v63  }
0x10d: {  	_ =	swait.ge [sflag:s5], $0x8000  }
0x10e: {  	[sflag:s5] =	ssyncset.done $0x0  }
0x10f: {  	s24 =	simm.s32 $0x600;
	[sflag:s5] =	ssyncadd.s32 $0xFFFF8000  }
0x110: {  	[tilespmem:s3], [sflag:$0x1] =	stream.indirect.gather [hbm4b:s4+s11], $0x40, s24, s11, $0xb8;
	[tilespmem:$0x18800] =	vst v63  }
0x111: {  	s25 =	simm.s32 $0x680  }
0x112: {  	[tilespmem:s13], [sflag:$0x1] =	stream.indirect.gather [hbm4b:s4+s11], $0x40, s25, s11, $0xb8;
	[tilespmem:$0x18800] =	vst v63  }
0x113: {  	_ = 	snop  }
0x114: {  	[tilespmem:s14], [sflag:$0x1] =	stream.indirect.gather [hbm4b:s4+s11], $0x40, s21, s11, $0xb8;
	[tilespmem:$0x18800] =	vst v63  }
0x115: {  	s26 =	simm.s32 $0x780  }
0x116: {  	[tilespmem:s16], [sflag:$0x1] =	stream.indirect.gather [hbm4b:s4+s11], $0x40, s26, s11, $0xb8;
	[tilespmem:$0x18800] =	vst v63  }
0x117: {  	_ =	swait.ge [sflag:s17], $0x2000  }
0x118: {  	[sflag:s17] =	ssyncset.done $0x0  }
0x119: {  	[sflag:s17] =	ssyncadd.s32 $0xFFFFE000  }
0x11a: {  	_ =	swait.ge [sflag:s17], $0x2000  }
0x11b: {  	[sflag:s17] =	ssyncset.done $0x0  }
0x11c: {  	[sflag:s17] =	ssyncadd.s32 $0xFFFFE000  }
0x11d: {  	_ =	swait.ge [sflag:s17], $0x2000  }
0x11e: {  	[sflag:s17] =	ssyncset.done $0x0  }
0x11f: {  	[sflag:s17] =	ssyncadd.s32 $0xFFFFE000  }
0x120: {  	_ =	swait.ge [sflag:s17], $0x2000  }
0x121: {  	[sflag:s17] =	ssyncset.done $0x0  }
0x122: {  	s28 =	rddreg [dreg:$0x5];
	[sflag:s17] =	ssyncadd.s32 $0xFFFFE000  }
0x123: {  	[hbm4b:s28+s2] =	stream.linear.scatter [tilespmem:s12], [sflag:$0x5], $0x8000, $0x38;
	[tilespmem:$0x18800] =	vst v63  }
0x124: {  	_ =	swait.ge [sflag:s15], $0x2000  }
0x125: {  	[sflag:s15] =	ssyncset.done $0x0  }
0x126: {  	[sflag:s15] =	ssyncadd.s32 $0xFFFFE000  }
0x127: {  	_ =	swait.ge [sflag:s15], $0x2000  }
0x128: {  	[sflag:s15] =	ssyncset.done $0x0  }
0x129: {  	[sflag:s15] =	ssyncadd.s32 $0xFFFFE000  }
0x12a: {  	_ =	swait.ge [sflag:s15], $0x2000  }
0x12b: {  	[sflag:s15] =	ssyncset.done $0x0  }
0x12c: {  	[sflag:s15] =	ssyncadd.s32 $0xFFFFE000  }
0x12d: {  	_ =	swait.ge [sflag:s15], $0x2000  }
0x12e: {  	[sflag:s15] =	ssyncset.done $0x0  }
0x12f: {  	s29 =	rddreg [dreg:$0x6];
	[sflag:s15] =	ssyncadd.s32 $0xFFFFE000  }
0x130: {  	[hbm4b:s29+s2] =	stream.linear.scatter [tilespmem:s10], [sflag:$0x6], $0x8000, $0x38;
	[tilespmem:$0x18800] =	vst v63  }
0x131: {  	_ =	swait.ge [sflag:s6], $0x2000  }
0x132: {  	[sflag:s6] =	ssyncset.done $0x0  }
0x133: {  	[sflag:s6] =	ssyncadd.s32 $0xFFFFE000  }
0x134: {  	_ =	swait.ge [sflag:s6], $0x2000  }
0x135: {  	[sflag:s6] =	ssyncset.done $0x0  }
0x136: {  	[sflag:s6] =	ssyncadd.s32 $0xFFFFE000  }
0x137: {  	_ =	swait.ge [sflag:s6], $0x2000  }
0x138: {  	[sflag:s6] =	ssyncset.done $0x0  }
0x139: {  	[sflag:s6] =	ssyncadd.s32 $0xFFFFE000  }
0x13a: {  	_ =	swait.ge [sflag:s6], $0x2000  }
0x13b: {  	[sflag:s6] =	ssyncset.done $0x0  }
0x13c: {  	s30 =	rddreg [dreg:$0x7];
	[sflag:s6] =	ssyncadd.s32 $0xFFFFE000  }
0x13d: {  	[hbm4b:s30+s2] =	stream.linear.scatter [tilespmem:s3], [sflag:$0x4], $0x8000, $0x38;
	[tilespmem:$0x18800] =	vst v63  }
0x13e: {  	_ =	swait.ge [sflag:s5], $0x8000  }
0x13f: {  	[sflag:s5] =	ssyncset.done $0x0  }
0x140: {  	[sflag:s5] =	ssyncadd.s32 $0xFFFF8000  }
0x141: {  	_ =	swait.ge [sflag:s9], $0x8000  }
0x142: {  	[sflag:s9] =	ssyncset.done $0x0  }
0x143: {  	[sflag:s9] =	ssyncadd.s32 $0xFFFF8000  }
0x144: {  	_ =	swait.ge [sflag:s7], $0x8000  }
0x145: {  	[sflag:s7] =	ssyncset.done $0x0  }
0x146: {  	[sflag:s7] =	ssyncadd.s32 $0xFFFF8000  }
0x147: {  	_ =	sfence.sel $0x180000  }
0x148: {  	s31 =	stileid.u32;
	[bflag:$0x0] =	sbarrier.arrive $0xFFFF  }
0x149: {  	p0 =	sne.s32 s31, $0x0;
	_ =	strace $0x90000047  }
0x14a: {  	s0 =	sadd.s32 @!p0 $0x100000, s20;
	[bflag:$0x2] =	sbarrier.arrive $0xFFFF  }
0x14b: {  	[sflag:s0] =	ssyncadd.tile.s32 @!p0 $0x1;
	_ =	shalt  }
.LBB2_1:
.Ltmp3:
0x14c: {  	(pc) =	sbr.rel .LBB2_6-.Ltmp3, $4  }
0x14d: {  	_ = 	snop  }
0x14e: {  	s23 =	simm.s32 $0x16800;
	s31 =	simm.s32 $0x580;
	s30 =	simm.s32 $0x14800  }
0x14f: {  	s29 =	simm.s32 $0x500;
	s28 =	simm.s32 $0x12800;
	s26 =	simm.s32 $0x480  }
0x150: {  	s25 =	simm.s32 $0x400;
	s24 =	simm.s32 $0xE800;
	s21 =	simm.s32 $0x700  }
.LBB2_3:
.Ltmp4:
0x151: {  	(pc) =	sbr.rel .LBB2_6-.Ltmp4, $4  }
0x152: {  	s23 =	simm.s32 $0x16800  }
0x153: {  	s31 =	simm.s32 $0x580;
	s30 =	simm.s32 $0x14800;
	s29 =	simm.s32 $0x500  }
0x154: {  	s28 =	simm.s32 $0x12800;
	s26 =	simm.s32 $0x480;
	s25 =	simm.s32 $0x400  }
0x155: {  	s24 =	simm.s32 $0xE800;
	s21 =	simm.s32 $0x700;
	s20 =	rddreg [dreg:$0x3]  }
.Lfunc_end2:
_tile_overlayer_lowered:
.L_overlay_start_2:
0x156: {  	(tag) =	ssettag $0x2  }
0x157: {  	s0 =	rddreg [dreg:$0x0];
	s2 =	stileid.u32  }
0x158: {  	s1 =	rddreg [dreg:$0x1];
	p0 =	sne.s32 s2, $0x0  }
0x159: {  	s3 =	rddreg [dreg:$0x2];
	[bflag:$0x3] =	sbarrier.arrive $0xFFFF;
	s2 =	simm.s32 @!p0 $0x1C07  }
0x15a: {  	[timem:s3], [sflag:s2] =	dma.local @!p0 [hbm:s0], s1  }
0x15b: {  	s0 =	simm.s32 @!p0 $0x7  }
0x15c: {  	_ =	swait.ge @!p0 [sflag:s0], s1  }
0x15d: {  	s1 =	ssub.s32 @!p0 $0x0, s1;
	[sflag:s0] =	ssyncset.done @!p0 $0x0  }
0x15e: {  	[sflag:s0] =	ssyncadd.s32 @!p0 s1  }
0x15f: {  	[bflag:$0x3] =	sbarrier.arrive $0xFFFF  }
0x160: {  	_ =	shalt  }

</sc_bundles>
